<compile_context>
chip_gen: v7x
topology: tpu7x:2x2x1
jax: 0.10.2.dev20260603
libtpu: 0.0.44.dev20260713+nightly
codegen_flags: <defaults>
</compile_context>

<pallas_src>
import functools

import jax
import jax.numpy as jnp
from jax import lax
from jax.experimental import pallas as pl
from jax.experimental.pallas import tpu as pltpu
from jax.experimental.pallas import tpu_sc as plsc

N = 10000
E = 320000
D = 128
DA = 144
NP = 10240

NC = 2
NS = 16
NW = NC * NS
CHUNK = 80
NCHUNK = 125
EPT = NCHUNK * CHUNK
ZPT = NP // CHUNK // NS


def _sc_aggregate(faug, src, dst):
    mesh = plsc.VectorSubcoreMesh(core_axis_name="c", subcore_axis_name="s")

    @functools.partial(
        pl.kernel,
        mesh=mesh,
        compiler_params=pltpu.CompilerParams(use_tc_tiling_on_sc=False),
        out_type=jax.ShapeDtypeStruct((NC, NP, DA), jnp.float32),
        scratch_types=[
            pltpu.VMEM((CHUNK,), jnp.int32),
            pltpu.VMEM((CHUNK,), jnp.int32),
            pltpu.VMEM((CHUNK,), jnp.int32),
            pltpu.VMEM((CHUNK,), jnp.int32),
            pltpu.VMEM((CHUNK,), jnp.int32),
            pltpu.VMEM((CHUNK,), jnp.int32),
            pltpu.VMEM((CHUNK, DA), jnp.float32),
            pltpu.VMEM((CHUNK, DA), jnp.float32),
            pltpu.VMEM((CHUNK, DA), jnp.float32),
            pltpu.VMEM_SHARED((NP, DA), jnp.float32),
            pltpu.SemaphoreType.DMA,
            pltpu.SemaphoreType.DMA,
        ],
    )
    def k(faug_hbm, src_hbm, dst_hbm, out_hbm, src_a, dst_a, src_b, dst_b,
          src_c, dst_c, rows_a, rows_b, rows_c, acc_sh, sem_g, sem_s):
        cid = lax.axis_index("c")
        sid = lax.axis_index("s")
        wid = sid * NC + cid
        ebase = wid * EPT

        srcs = [src_a, src_b, src_c]
        dsts = [dst_a, dst_b, dst_c]
        rows = [rows_a, rows_b, rows_c]

        def zrow(r, carry):
            def zcol(q, c):
                rows_a[r, pl.ds(q * 16, 16)] = jnp.zeros((16,), jnp.float32)
                return c
            return lax.fori_loop(0, DA // 16, zcol, carry)
        lax.fori_loop(0, CHUNK, zrow, None)
        for j in range(ZPT):
            r0 = (sid + j * NS) * CHUNK
            pltpu.sync_copy(rows_a, acc_sh.at[pl.ds(r0, CHUNK)])
        plsc.subcore_barrier()

        def load_idx(i, p):
            pltpu.sync_copy(src_hbm.at[pl.ds(ebase + i * CHUNK, CHUNK)],
                            srcs[p])
            pltpu.sync_copy(dst_hbm.at[pl.ds(ebase + i * CHUNK, CHUNK)],
                            dsts[p])

        def fire_g(p):
            pltpu.async_copy(faug_hbm.at[srcs[p]], rows[p], sem_g)

        def wait_g(p):
            pltpu.make_async_copy(faug_hbm.at[srcs[p]], rows[p], sem_g).wait()

        def fire_s(p):
            pltpu.async_copy(rows[p], acc_sh.at[dsts[p]], sem_s, add=True)

        def wait_s(p):
            pltpu.make_async_copy(rows[p], acc_sh.at[dsts[p]], sem_s).wait()

        def slot(i, b, first=False, fire2=True):
            b2 = (b + 2) % 3
            wait_g(b)
            if not first:
                wait_s(b2)
            if fire2:
                load_idx(i + 2, b2)
                fire_g(b2)
            fire_s(b)

        load_idx(0, 0)
        load_idx(1, 1)
        fire_g(0)
        fire_g(1)
        slot(0, 0, first=True)

        def group(j, carry):
            i0 = 1 + 3 * j
            for t in range(3):
                slot(i0 + t, (1 + t) % 3)
            return carry
        lax.fori_loop(0, (NCHUNK - 5) // 3, group, None)

        slot(NCHUNK - 4, (NCHUNK - 4) % 3)
        slot(NCHUNK - 3, (NCHUNK - 3) % 3)
        slot(NCHUNK - 2, (NCHUNK - 2) % 3, fire2=False)
        slot(NCHUNK - 1, (NCHUNK - 1) % 3, fire2=False)
        wait_s((NCHUNK - 1) % 3)
        plsc.subcore_barrier()

        for j in range(ZPT):
            r0 = (sid + j * NS) * CHUNK
            pltpu.sync_copy(acc_sh.at[pl.ds(r0, CHUNK)], rows_a)
            pltpu.sync_copy(rows_a, out_hbm.at[cid, pl.ds(r0, CHUNK)])

    return k(faug, src, dst)


def _tc_combine(feature, parts, W, b):
    def body(f_ref, p_ref, w_ref, b_ref, o_ref):
        a = p_ref[0, :N] + p_ref[1, :N]
        agg = a[:, :D]
        deg = jnp.sum(a[:, D:], axis=1, keepdims=True)
        neigh = agg / jnp.maximum(deg, 1.0)
        out = (
            jnp.dot(f_ref[...], w_ref[:D, :], preferred_element_type=jnp.float32)
            + jnp.dot(neigh, w_ref[D:, :], preferred_element_type=jnp.float32)
            + b_ref[...][None, :]
        )
        o_ref[...] = jnp.maximum(out, 0.0)

    return pl.pallas_call(
        body,
        out_shape=jax.ShapeDtypeStruct((N, D), jnp.float32),
    )(feature, parts, W, b)


def kernel(feature, edge_index, W, b):
    faug = jnp.concatenate(
        [feature,
         jnp.ones((N, 1), feature.dtype),
         jnp.zeros((N, DA - D - 1), feature.dtype)],
        axis=1,
    )
    parts = _sc_aggregate(faug, edge_index[0], edge_index[1])
    return _tc_combine(feature, parts, W, b)

# --- scband reference (transcript-rebuilt; emitter-appended) ---
"""Pipeline reference for scband-encoder-21887153340715 (READ-ONLY COPY).

The authoritative reference and input builder live on the scoring server;
editing this copy changes nothing except your own understanding.
"""

import jax, jax.numpy as jnp
import numpy as np

N = 10000
E = 320000
D = 128

def setup_inputs(seed: int = 0) -> dict:
    key = jax.random.key(seed)
    k1, k2, k3, k4 = jax.random.split(key, 4)
    feature = jax.random.normal(k1, (N, D), dtype=jnp.float32)
    edge_index = jax.random.randint(k2, (2, E), 0, N, dtype=jnp.int32)
    # nn.Linear(2*D, D): implement as x @ W + b with W [2D, D]
    W = jax.random.normal(k3, (2 * D, D), dtype=jnp.float32) * (1.0 / np.sqrt(2 * D))
    b = jax.random.uniform(k4, (D,), dtype=jnp.float32, minval=-1.0 / np.sqrt(2 * D), maxval=1.0 / np.sqrt(2 * D))
    return {"feature": feature, "edge_index": edge_index, "W": W, "b": b}

def reference(feature, edge_index, W, b):
    # Mean aggregator over neighbors (aggregator.forward(adj)):
    # gather source features, scatter-mean into destination nodes.
    src = edge_index[0]
    dst = edge_index[1]
    msgs = jnp.take(feature, src, axis=0)                       # gather  [E, D]
    agg = jax.ops.segment_sum(msgs, dst, num_segments=N)        # scatter-add [N, D]
    deg = jax.ops.segment_sum(jnp.ones((E,), dtype=feature.dtype), dst, num_segments=N)
    neigh_feature = agg / jnp.clip(deg, 1.0)[:, None]           # mean
    combined = jnp.concatenate([feature, neigh_feature], axis=1)  # [N, 2D]
    component_embed_matrix = jax.nn.relu(combined @ W + b)        # [N, D]
    return component_embed_matrix

if __name__ == "__main__":
    import jax
    _d = setup_inputs()
    print(jax.jit(kernel)(*tuple(_d.values())))

</pallas_src>

<mosaic_0001>
#map = affine_map<(d0, d1) -> (0, 0)>
#map1 = affine_map<(d0, d1) -> (0)>
#map2 = affine_map<(d0, d1) -> (0, 0, 0)>
module attributes {stable_mosaic.version = 14 : i64} {
  func.func @k(%arg0: i32, %arg1: i32, %arg2: memref<10000x144xf32, #tpu.memory_space<hbm>>, %arg3: memref<320000xi32, #tpu.memory_space<hbm>>, %arg4: memref<320000xi32, #tpu.memory_space<hbm>>, %arg5: memref<2x10240x144xf32, #tpu.memory_space<hbm>>, %arg6: memref<80xi32, #tpu.memory_space<vmem>>, %arg7: memref<80xi32, #tpu.memory_space<vmem>>, %arg8: memref<80xi32, #tpu.memory_space<vmem>>, %arg9: memref<80xi32, #tpu.memory_space<vmem>>, %arg10: memref<80xi32, #tpu.memory_space<vmem>>, %arg11: memref<80xi32, #tpu.memory_space<vmem>>, %arg12: memref<80x144xf32, #tpu.memory_space<vmem>>, %arg13: memref<80x144xf32, #tpu.memory_space<vmem>>, %arg14: memref<80x144xf32, #tpu.memory_space<vmem>>, %arg15: memref<10240x144xf32, #tpu.memory_space<vmem_shared>>, %arg16: memref<!tpu.dma_semaphore, #tpu.memory_space<semaphore_mem>>, %arg17: memref<!tpu.dma_semaphore, #tpu.memory_space<semaphore_mem>>) attributes {dimension_semantics = [#tpu.dimension_semantics<core_parallel>, #tpu.dimension_semantics<subcore_parallel>], iteration_bounds = array<i64: 2, 16>, scalar_prefetch = 0 : i64, scratch_operands = 12 : i64, tpu.core_type = #tpu.core_type<sc_vector_subcore>, window_params = [{transform_indices = #map}, {transform_indices = #map1}, {transform_indices = #map1}, {transform_indices = #map2}]} {
    %mul3A = arith.constant 2 : i32
    %mul3A_0 = arith.muli %arg1, %mul3A : i32
    %add3A = arith.addi %mul3A_0, %arg0 : i32
    %mul3A_1 = arith.constant 10000 : i32
    %mul3A_2 = arith.muli %add3A, %mul3A_1 : i32
    %scan3A = arith.constant 0 : i32
    %scan3A_3 = arith.constant 80 : i32
    %scan3A_4 = arith.addi %scan3A, %scan3A_3 : i32
    %scan3A_5 = arith.constant 1 : i32
    scf.for %scan3A_155 = %scan3A to %scan3A_4 step %scan3A_5  : i32 {
      %scan3A_156 = arith.constant 0 : i32
      %scan3A_157 = arith.constant 9 : i32
      %scan3A_158 = arith.addi %scan3A_156, %scan3A_157 : i32
      %scan3A_159 = arith.constant 1 : i32
      scf.for %scan3A_161 = %scan3A_156 to %scan3A_158 step %scan3A_159  : i32 {
        %broadcast_in_dim3A = arith.constant 0.000000e+00 : f32
        %broadcast_in_dim3A_162 = vector.broadcast %broadcast_in_dim3A : f32 to vector<16xf32>
        %mul3A_163 = arith.constant 16 : i32
        %mul3A_164 = arith.muli %scan3A_161, %mul3A_163 : i32
        %swap3A = arith.index_cast %scan3A_155 : i32 to index
        %swap3A_165 = arith.index_cast %mul3A_164 : i32 to index
        %swap3A_166 = tpu.vector_load %arg12[%swap3A, %swap3A_165] {strides = array<i32>} : memref<80x144xf32, #tpu.memory_space<vmem>>, vector<1x16xf32>,
        %swap3A_167 = vector.shape_cast %swap3A_166 : vector<1x16xf32> to vector<16xf32>
        %swap3A_168 = vector.shape_cast %broadcast_in_dim3A_162 : vector<16xf32> to vector<1x16xf32>
        tpu.vector_store %arg12[%swap3A, %swap3A_165], %swap3A_168 {strides = array<i32>} : memref<80x144xf32, #tpu.memory_space<vmem>>, vector<1x16xf32>,
      }
      %scan3A_160 = arith.constant 9 : i32
    }
    %scan3A_6 = arith.constant 80 : i32
    %add3A_7 = arith.constant 0 : i32
    %add3A_8 = arith.addi %arg1, %add3A_7 : i32
    %mul3A_9 = arith.constant 80 : i32
    %mul3A_10 = arith.muli %add3A_8, %mul3A_9 : i32
    "tpu.region"() ({
      %run_scoped3A = tpu.sem_alloc : memref<!tpu.dma_semaphore, #tpu.memory_space<semaphore_mem>>
      %dma_start3A_155 = arith.constant 0 : i32
      %dma_start3A_156 = tpu.memref_slice %arg15[%mul3A_10, %dma_start3A_155] : memref<10240x144xf32, #tpu.memory_space<vmem_shared>> -> memref<80x144xf32, #tpu.memory_space<vmem_shared>>
      %dma_start3A_157 = arith.constant 0 : i32
      %dma_start3A_158 = tpu.memref_slice %arg15[%mul3A_10, %dma_start3A_157] : memref<10240x144xf32, #tpu.memory_space<vmem_shared>> -> memref<80x144xf32, #tpu.memory_space<vmem_shared>>
      tpu.enqueue_dma source(%arg12 : memref<80x144xf32, #tpu.memory_space<vmem>>) target(%dma_start3A_158 : memref<80x144xf32, #tpu.memory_space<vmem_shared>>) target_semaphore(%run_scoped3A : memref<!tpu.dma_semaphore, #tpu.memory_space<semaphore_mem>>)
      %dma_wait3A_159 = arith.constant 0 : i32
      %dma_wait3A_160 = tpu.memref_slice %arg15[%mul3A_10, %dma_wait3A_159] : memref<10240x144xf32, #tpu.memory_space<vmem_shared>> -> memref<80x144xf32, #tpu.memory_space<vmem_shared>>
      %dma_wait3A_161 = arith.constant 0 : i32
      %dma_wait3A_162 = tpu.memref_slice %arg15[%mul3A_10, %dma_wait3A_161] : memref<10240x144xf32, #tpu.memory_space<vmem_shared>> -> memref<80x144xf32, #tpu.memory_space<vmem_shared>>
      tpu.wait_dma2 semaphore(%run_scoped3A : memref<!tpu.dma_semaphore, #tpu.memory_space<semaphore_mem>>) src(%arg12 : memref<80x144xf32, #tpu.memory_space<vmem>>) dst(%dma_wait3A_162 : memref<80x144xf32, #tpu.memory_space<vmem_shared>>)
      tpu.yield
    }) : () -> ()
    %add3A_11 = arith.constant 16 : i32
    %add3A_12 = arith.addi %arg1, %add3A_11 : i32
    %mul3A_13 = arith.constant 80 : i32
    %mul3A_14 = arith.muli %add3A_12, %mul3A_13 : i32
    "tpu.region"() ({
      %run_scoped3A = tpu.sem_alloc : memref<!tpu.dma_semaphore, #tpu.memory_space<semaphore_mem>>
      %dma_start3A_155 = arith.constant 0 : i32
      %dma_start3A_156 = tpu.memref_slice %arg15[%mul3A_14, %dma_start3A_155] : memref<10240x144xf32, #tpu.memory_space<vmem_shared>> -> memref<80x144xf32, #tpu.memory_space<vmem_shared>>
      %dma_start3A_157 = arith.constant 0 : i32
      %dma_start3A_158 = tpu.memref_slice %arg15[%mul3A_14, %dma_start3A_157] : memref<10240x144xf32, #tpu.memory_space<vmem_shared>> -> memref<80x144xf32, #tpu.memory_space<vmem_shared>>
      tpu.enqueue_dma source(%arg12 : memref<80x144xf32, #tpu.memory_space<vmem>>) target(%dma_start3A_158 : memref<80x144xf32, #tpu.memory_space<vmem_shared>>) target_semaphore(%run_scoped3A : memref<!tpu.dma_semaphore, #tpu.memory_space<semaphore_mem>>)
      %dma_wait3A_159 = arith.constant 0 : i32
      %dma_wait3A_160 = tpu.memref_slice %arg15[%mul3A_14, %dma_wait3A_159] : memref<10240x144xf32, #tpu.memory_space<vmem_shared>> -> memref<80x144xf32, #tpu.memory_space<vmem_shared>>
      %dma_wait3A_161 = arith.constant 0 : i32
      %dma_wait3A_162 = tpu.memref_slice %arg15[%mul3A_14, %dma_wait3A_161] : memref<10240x144xf32, #tpu.memory_space<vmem_shared>> -> memref<80x144xf32, #tpu.memory_space<vmem_shared>>
      tpu.wait_dma2 semaphore(%run_scoped3A : memref<!tpu.dma_semaphore, #tpu.memory_space<semaphore_mem>>) src(%arg12 : memref<80x144xf32, #tpu.memory_space<vmem>>) dst(%dma_wait3A_162 : memref<80x144xf32, #tpu.memory_space<vmem_shared>>)
      tpu.yield
    }) : () -> ()
    %add3A_15 = arith.constant 32 : i32
    %add3A_16 = arith.addi %arg1, %add3A_15 : i32
    %mul3A_17 = arith.constant 80 : i32
    %mul3A_18 = arith.muli %add3A_16, %mul3A_17 : i32
    "tpu.region"() ({
      %run_scoped3A = tpu.sem_alloc : memref<!tpu.dma_semaphore, #tpu.memory_space<semaphore_mem>>
      %dma_start3A_155 = arith.constant 0 : i32
      %dma_start3A_156 = tpu.memref_slice %arg15[%mul3A_18, %dma_start3A_155] : memref<10240x144xf32, #tpu.memory_space<vmem_shared>> -> memref<80x144xf32, #tpu.memory_space<vmem_shared>>
      %dma_start3A_157 = arith.constant 0 : i32
      %dma_start3A_158 = tpu.memref_slice %arg15[%mul3A_18, %dma_start3A_157] : memref<10240x144xf32, #tpu.memory_space<vmem_shared>> -> memref<80x144xf32, #tpu.memory_space<vmem_shared>>
      tpu.enqueue_dma source(%arg12 : memref<80x144xf32, #tpu.memory_space<vmem>>) target(%dma_start3A_158 : memref<80x144xf32, #tpu.memory_space<vmem_shared>>) target_semaphore(%run_scoped3A : memref<!tpu.dma_semaphore, #tpu.memory_space<semaphore_mem>>)
      %dma_wait3A_159 = arith.constant 0 : i32
      %dma_wait3A_160 = tpu.memref_slice %arg15[%mul3A_18, %dma_wait3A_159] : memref<10240x144xf32, #tpu.memory_space<vmem_shared>> -> memref<80x144xf32, #tpu.memory_space<vmem_shared>>
      %dma_wait3A_161 = arith.constant 0 : i32
      %dma_wait3A_162 = tpu.memref_slice %arg15[%mul3A_18, %dma_wait3A_161] : memref<10240x144xf32, #tpu.memory_space<vmem_shared>> -> memref<80x144xf32, #tpu.memory_space<vmem_shared>>
      tpu.wait_dma2 semaphore(%run_scoped3A : memref<!tpu.dma_semaphore, #tpu.memory_space<semaphore_mem>>) src(%arg12 : memref<80x144xf32, #tpu.memory_space<vmem>>) dst(%dma_wait3A_162 : memref<80x144xf32, #tpu.memory_space<vmem_shared>>)
      tpu.yield
    }) : () -> ()
    %add3A_19 = arith.constant 48 : i32
    %add3A_20 = arith.addi %arg1, %add3A_19 : i32
    %mul3A_21 = arith.constant 80 : i32
    %mul3A_22 = arith.muli %add3A_20, %mul3A_21 : i32
    "tpu.region"() ({
      %run_scoped3A = tpu.sem_alloc : memref<!tpu.dma_semaphore, #tpu.memory_space<semaphore_mem>>
      %dma_start3A_155 = arith.constant 0 : i32
      %dma_start3A_156 = tpu.memref_slice %arg15[%mul3A_22, %dma_start3A_155] : memref<10240x144xf32, #tpu.memory_space<vmem_shared>> -> memref<80x144xf32, #tpu.memory_space<vmem_shared>>
      %dma_start3A_157 = arith.constant 0 : i32
      %dma_start3A_158 = tpu.memref_slice %arg15[%mul3A_22, %dma_start3A_157] : memref<10240x144xf32, #tpu.memory_space<vmem_shared>> -> memref<80x144xf32, #tpu.memory_space<vmem_shared>>
      tpu.enqueue_dma source(%arg12 : memref<80x144xf32, #tpu.memory_space<vmem>>) target(%dma_start3A_158 : memref<80x144xf32, #tpu.memory_space<vmem_shared>>) target_semaphore(%run_scoped3A : memref<!tpu.dma_semaphore, #tpu.memory_space<semaphore_mem>>)
      %dma_wait3A_159 = arith.constant 0 : i32
      %dma_wait3A_160 = tpu.memref_slice %arg15[%mul3A_22, %dma_wait3A_159] : memref<10240x144xf32, #tpu.memory_space<vmem_shared>> -> memref<80x144xf32, #tpu.memory_space<vmem_shared>>
      %dma_wait3A_161 = arith.constant 0 : i32
      %dma_wait3A_162 = tpu.memref_slice %arg15[%mul3A_22, %dma_wait3A_161] : memref<10240x144xf32, #tpu.memory_space<vmem_shared>> -> memref<80x144xf32, #tpu.memory_space<vmem_shared>>
      tpu.wait_dma2 semaphore(%run_scoped3A : memref<!tpu.dma_semaphore, #tpu.memory_space<semaphore_mem>>) src(%arg12 : memref<80x144xf32, #tpu.memory_space<vmem>>) dst(%dma_wait3A_162 : memref<80x144xf32, #tpu.memory_space<vmem_shared>>)
      tpu.yield
    }) : () -> ()
    %add3A_23 = arith.constant 64 : i32
    %add3A_24 = arith.addi %arg1, %add3A_23 : i32
    %mul3A_25 = arith.constant 80 : i32
    %mul3A_26 = arith.muli %add3A_24, %mul3A_25 : i32
    "tpu.region"() ({
      %run_scoped3A = tpu.sem_alloc : memref<!tpu.dma_semaphore, #tpu.memory_space<semaphore_mem>>
      %dma_start3A_155 = arith.constant 0 : i32
      %dma_start3A_156 = tpu.memref_slice %arg15[%mul3A_26, %dma_start3A_155] : memref<10240x144xf32, #tpu.memory_space<vmem_shared>> -> memref<80x144xf32, #tpu.memory_space<vmem_shared>>
      %dma_start3A_157 = arith.constant 0 : i32
      %dma_start3A_158 = tpu.memref_slice %arg15[%mul3A_26, %dma_start3A_157] : memref<10240x144xf32, #tpu.memory_space<vmem_shared>> -> memref<80x144xf32, #tpu.memory_space<vmem_shared>>
      tpu.enqueue_dma source(%arg12 : memref<80x144xf32, #tpu.memory_space<vmem>>) target(%dma_start3A_158 : memref<80x144xf32, #tpu.memory_space<vmem_shared>>) target_semaphore(%run_scoped3A : memref<!tpu.dma_semaphore, #tpu.memory_space<semaphore_mem>>)
      %dma_wait3A_159 = arith.constant 0 : i32
      %dma_wait3A_160 = tpu.memref_slice %arg15[%mul3A_26, %dma_wait3A_159] : memref<10240x144xf32, #tpu.memory_space<vmem_shared>> -> memref<80x144xf32, #tpu.memory_space<vmem_shared>>
      %dma_wait3A_161 = arith.constant 0 : i32
      %dma_wait3A_162 = tpu.memref_slice %arg15[%mul3A_26, %dma_wait3A_161] : memref<10240x144xf32, #tpu.memory_space<vmem_shared>> -> memref<80x144xf32, #tpu.memory_space<vmem_shared>>
      tpu.wait_dma2 semaphore(%run_scoped3A : memref<!tpu.dma_semaphore, #tpu.memory_space<semaphore_mem>>) src(%arg12 : memref<80x144xf32, #tpu.memory_space<vmem>>) dst(%dma_wait3A_162 : memref<80x144xf32, #tpu.memory_space<vmem_shared>>)
      tpu.yield
    }) : () -> ()
    %add3A_27 = arith.constant 80 : i32
    %add3A_28 = arith.addi %arg1, %add3A_27 : i32
    %mul3A_29 = arith.constant 80 : i32
    %mul3A_30 = arith.muli %add3A_28, %mul3A_29 : i32
    "tpu.region"() ({
      %run_scoped3A = tpu.sem_alloc : memref<!tpu.dma_semaphore, #tpu.memory_space<semaphore_mem>>
      %dma_start3A_155 = arith.constant 0 : i32
      %dma_start3A_156 = tpu.memref_slice %arg15[%mul3A_30, %dma_start3A_155] : memref<10240x144xf32, #tpu.memory_space<vmem_shared>> -> memref<80x144xf32, #tpu.memory_space<vmem_shared>>
      %dma_start3A_157 = arith.constant 0 : i32
      %dma_start3A_158 = tpu.memref_slice %arg15[%mul3A_30, %dma_start3A_157] : memref<10240x144xf32, #tpu.memory_space<vmem_shared>> -> memref<80x144xf32, #tpu.memory_space<vmem_shared>>
      tpu.enqueue_dma source(%arg12 : memref<80x144xf32, #tpu.memory_space<vmem>>) target(%dma_start3A_158 : memref<80x144xf32, #tpu.memory_space<vmem_shared>>) target_semaphore(%run_scoped3A : memref<!tpu.dma_semaphore, #tpu.memory_space<semaphore_mem>>)
      %dma_wait3A_159 = arith.constant 0 : i32
      %dma_wait3A_160 = tpu.memref_slice %arg15[%mul3A_30, %dma_wait3A_159] : memref<10240x144xf32, #tpu.memory_space<vmem_shared>> -> memref<80x144xf32, #tpu.memory_space<vmem_shared>>
      %dma_wait3A_161 = arith.constant 0 : i32
      %dma_wait3A_162 = tpu.memref_slice %arg15[%mul3A_30, %dma_wait3A_161] : memref<10240x144xf32, #tpu.memory_space<vmem_shared>> -> memref<80x144xf32, #tpu.memory_space<vmem_shared>>
      tpu.wait_dma2 semaphore(%run_scoped3A : memref<!tpu.dma_semaphore, #tpu.memory_space<semaphore_mem>>) src(%arg12 : memref<80x144xf32, #tpu.memory_space<vmem>>) dst(%dma_wait3A_162 : memref<80x144xf32, #tpu.memory_space<vmem_shared>>)
      tpu.yield
    }) : () -> ()
    %add3A_31 = arith.constant 96 : i32
    %add3A_32 = arith.addi %arg1, %add3A_31 : i32
    %mul3A_33 = arith.constant 80 : i32
    %mul3A_34 = arith.muli %add3A_32, %mul3A_33 : i32
    "tpu.region"() ({
      %run_scoped3A = tpu.sem_alloc : memref<!tpu.dma_semaphore, #tpu.memory_space<semaphore_mem>>
      %dma_start3A_155 = arith.constant 0 : i32
      %dma_start3A_156 = tpu.memref_slice %arg15[%mul3A_34, %dma_start3A_155] : memref<10240x144xf32, #tpu.memory_space<vmem_shared>> -> memref<80x144xf32, #tpu.memory_space<vmem_shared>>
      %dma_start3A_157 = arith.constant 0 : i32
      %dma_start3A_158 = tpu.memref_slice %arg15[%mul3A_34, %dma_start3A_157] : memref<10240x144xf32, #tpu.memory_space<vmem_shared>> -> memref<80x144xf32, #tpu.memory_space<vmem_shared>>
      tpu.enqueue_dma source(%arg12 : memref<80x144xf32, #tpu.memory_space<vmem>>) target(%dma_start3A_158 : memref<80x144xf32, #tpu.memory_space<vmem_shared>>) target_semaphore(%run_scoped3A : memref<!tpu.dma_semaphore, #tpu.memory_space<semaphore_mem>>)
      %dma_wait3A_159 = arith.constant 0 : i32
      %dma_wait3A_160 = tpu.memref_slice %arg15[%mul3A_34, %dma_wait3A_159] : memref<10240x144xf32, #tpu.memory_space<vmem_shared>> -> memref<80x144xf32, #tpu.memory_space<vmem_shared>>
      %dma_wait3A_161 = arith.constant 0 : i32
      %dma_wait3A_162 = tpu.memref_slice %arg15[%mul3A_34, %dma_wait3A_161] : memref<10240x144xf32, #tpu.memory_space<vmem_shared>> -> memref<80x144xf32, #tpu.memory_space<vmem_shared>>
      tpu.wait_dma2 semaphore(%run_scoped3A : memref<!tpu.dma_semaphore, #tpu.memory_space<semaphore_mem>>) src(%arg12 : memref<80x144xf32, #tpu.memory_space<vmem>>) dst(%dma_wait3A_162 : memref<80x144xf32, #tpu.memory_space<vmem_shared>>)
      tpu.yield
    }) : () -> ()
    %add3A_35 = arith.constant 112 : i32
    %add3A_36 = arith.addi %arg1, %add3A_35 : i32
    %mul3A_37 = arith.constant 80 : i32
    %mul3A_38 = arith.muli %add3A_36, %mul3A_37 : i32
    "tpu.region"() ({
      %run_scoped3A = tpu.sem_alloc : memref<!tpu.dma_semaphore, #tpu.memory_space<semaphore_mem>>
      %dma_start3A_155 = arith.constant 0 : i32
      %dma_start3A_156 = tpu.memref_slice %arg15[%mul3A_38, %dma_start3A_155] : memref<10240x144xf32, #tpu.memory_space<vmem_shared>> -> memref<80x144xf32, #tpu.memory_space<vmem_shared>>
      %dma_start3A_157 = arith.constant 0 : i32
      %dma_start3A_158 = tpu.memref_slice %arg15[%mul3A_38, %dma_start3A_157] : memref<10240x144xf32, #tpu.memory_space<vmem_shared>> -> memref<80x144xf32, #tpu.memory_space<vmem_shared>>
      tpu.enqueue_dma source(%arg12 : memref<80x144xf32, #tpu.memory_space<vmem>>) target(%dma_start3A_158 : memref<80x144xf32, #tpu.memory_space<vmem_shared>>) target_semaphore(%run_scoped3A : memref<!tpu.dma_semaphore, #tpu.memory_space<semaphore_mem>>)
      %dma_wait3A_159 = arith.constant 0 : i32
      %dma_wait3A_160 = tpu.memref_slice %arg15[%mul3A_38, %dma_wait3A_159] : memref<10240x144xf32, #tpu.memory_space<vmem_shared>> -> memref<80x144xf32, #tpu.memory_space<vmem_shared>>
      %dma_wait3A_161 = arith.constant 0 : i32
      %dma_wait3A_162 = tpu.memref_slice %arg15[%mul3A_38, %dma_wait3A_161] : memref<10240x144xf32, #tpu.memory_space<vmem_shared>> -> memref<80x144xf32, #tpu.memory_space<vmem_shared>>
      tpu.wait_dma2 semaphore(%run_scoped3A : memref<!tpu.dma_semaphore, #tpu.memory_space<semaphore_mem>>) src(%arg12 : memref<80x144xf32, #tpu.memory_space<vmem>>) dst(%dma_wait3A_162 : memref<80x144xf32, #tpu.memory_space<vmem_shared>>)
      tpu.yield
    }) : () -> ()
    %barrier3A = arith.constant 0 : index
    tpu.barrier barrier_id(%barrier3A)
    %add3A_39 = arith.constant 0 : i32
    %add3A_40 = arith.addi %mul3A_2, %add3A_39 : i32
    "tpu.region"() ({
      %run_scoped3A = tpu.sem_alloc : memref<!tpu.dma_semaphore, #tpu.memory_space<semaphore_mem>>
      %dma_start3A_155 = tpu.memref_slice %arg3[%add3A_40] : memref<320000xi32, #tpu.memory_space<hbm>> -> memref<80xi32, #tpu.memory_space<hbm>>
      %dma_start3A_156 = tpu.memref_slice %arg3[%add3A_40] : memref<320000xi32, #tpu.memory_space<hbm>> -> memref<80xi32, #tpu.memory_space<hbm>>
      tpu.enqueue_dma source(%dma_start3A_156 : memref<80xi32, #tpu.memory_space<hbm>>) target(%arg6 : memref<80xi32, #tpu.memory_space<vmem>>) target_semaphore(%run_scoped3A : memref<!tpu.dma_semaphore, #tpu.memory_space<semaphore_mem>>)
      %dma_wait3A_157 = tpu.memref_slice %arg3[%add3A_40] : memref<320000xi32, #tpu.memory_space<hbm>> -> memref<80xi32, #tpu.memory_space<hbm>>
      %dma_wait3A_158 = tpu.memref_slice %arg3[%add3A_40] : memref<320000xi32, #tpu.memory_space<hbm>> -> memref<80xi32, #tpu.memory_space<hbm>>
      tpu.wait_dma2 semaphore(%run_scoped3A : memref<!tpu.dma_semaphore, #tpu.memory_space<semaphore_mem>>) src(%dma_wait3A_158 : memref<80xi32, #tpu.memory_space<hbm>>) dst(%arg6 : memref<80xi32, #tpu.memory_space<vmem>>)
      tpu.yield
    }) : () -> ()
    %add3A_41 = arith.constant 0 : i32
    %add3A_42 = arith.addi %mul3A_2, %add3A_41 : i32
    "tpu.region"() ({
      %run_scoped3A = tpu.sem_alloc : memref<!tpu.dma_semaphore, #tpu.memory_space<semaphore_mem>>
      %dma_start3A_155 = tpu.memref_slice %arg4[%add3A_42] : memref<320000xi32, #tpu.memory_space<hbm>> -> memref<80xi32, #tpu.memory_space<hbm>>
      %dma_start3A_156 = tpu.memref_slice %arg4[%add3A_42] : memref<320000xi32, #tpu.memory_space<hbm>> -> memref<80xi32, #tpu.memory_space<hbm>>
      tpu.enqueue_dma source(%dma_start3A_156 : memref<80xi32, #tpu.memory_space<hbm>>) target(%arg7 : memref<80xi32, #tpu.memory_space<vmem>>) target_semaphore(%run_scoped3A : memref<!tpu.dma_semaphore, #tpu.memory_space<semaphore_mem>>)
      %dma_wait3A_157 = tpu.memref_slice %arg4[%add3A_42] : memref<320000xi32, #tpu.memory_space<hbm>> -> memref<80xi32, #tpu.memory_space<hbm>>
      %dma_wait3A_158 = tpu.memref_slice %arg4[%add3A_42] : memref<320000xi32, #tpu.memory_space<hbm>> -> memref<80xi32, #tpu.memory_space<hbm>>
      tpu.wait_dma2 semaphore(%run_scoped3A : memref<!tpu.dma_semaphore, #tpu.memory_space<semaphore_mem>>) src(%dma_wait3A_158 : memref<80xi32, #tpu.memory_space<hbm>>) dst(%arg7 : memref<80xi32, #tpu.memory_space<vmem>>)
      tpu.yield
    }) : () -> ()
    %add3A_43 = arith.constant 80 : i32
    %add3A_44 = arith.addi %mul3A_2, %add3A_43 : i32
    "tpu.region"() ({
      %run_scoped3A = tpu.sem_alloc : memref<!tpu.dma_semaphore, #tpu.memory_space<semaphore_mem>>
      %dma_start3A_155 = tpu.memref_slice %arg3[%add3A_44] : memref<320000xi32, #tpu.memory_space<hbm>> -> memref<80xi32, #tpu.memory_space<hbm>>
      %dma_start3A_156 = tpu.memref_slice %arg3[%add3A_44] : memref<320000xi32, #tpu.memory_space<hbm>> -> memref<80xi32, #tpu.memory_space<hbm>>
      tpu.enqueue_dma source(%dma_start3A_156 : memref<80xi32, #tpu.memory_space<hbm>>) target(%arg8 : memref<80xi32, #tpu.memory_space<vmem>>) target_semaphore(%run_scoped3A : memref<!tpu.dma_semaphore, #tpu.memory_space<semaphore_mem>>)
      %dma_wait3A_157 = tpu.memref_slice %arg3[%add3A_44] : memref<320000xi32, #tpu.memory_space<hbm>> -> memref<80xi32, #tpu.memory_space<hbm>>
      %dma_wait3A_158 = tpu.memref_slice %arg3[%add3A_44] : memref<320000xi32, #tpu.memory_space<hbm>> -> memref<80xi32, #tpu.memory_space<hbm>>
      tpu.wait_dma2 semaphore(%run_scoped3A : memref<!tpu.dma_semaphore, #tpu.memory_space<semaphore_mem>>) src(%dma_wait3A_158 : memref<80xi32, #tpu.memory_space<hbm>>) dst(%arg8 : memref<80xi32, #tpu.memory_space<vmem>>)
      tpu.yield
    }) : () -> ()
    %add3A_45 = arith.constant 80 : i32
    %add3A_46 = arith.addi %mul3A_2, %add3A_45 : i32
    "tpu.region"() ({
      %run_scoped3A = tpu.sem_alloc : memref<!tpu.dma_semaphore, #tpu.memory_space<semaphore_mem>>
      %dma_start3A_155 = tpu.memref_slice %arg4[%add3A_46] : memref<320000xi32, #tpu.memory_space<hbm>> -> memref<80xi32, #tpu.memory_space<hbm>>
      %dma_start3A_156 = tpu.memref_slice %arg4[%add3A_46] : memref<320000xi32, #tpu.memory_space<hbm>> -> memref<80xi32, #tpu.memory_space<hbm>>
      tpu.enqueue_dma source(%dma_start3A_156 : memref<80xi32, #tpu.memory_space<hbm>>) target(%arg9 : memref<80xi32, #tpu.memory_space<vmem>>) target_semaphore(%run_scoped3A : memref<!tpu.dma_semaphore, #tpu.memory_space<semaphore_mem>>)
      %dma_wait3A_157 = tpu.memref_slice %arg4[%add3A_46] : memref<320000xi32, #tpu.memory_space<hbm>> -> memref<80xi32, #tpu.memory_space<hbm>>
      %dma_wait3A_158 = tpu.memref_slice %arg4[%add3A_46] : memref<320000xi32, #tpu.memory_space<hbm>> -> memref<80xi32, #tpu.memory_space<hbm>>
      tpu.wait_dma2 semaphore(%run_scoped3A : memref<!tpu.dma_semaphore, #tpu.memory_space<semaphore_mem>>) src(%dma_wait3A_158 : memref<80xi32, #tpu.memory_space<hbm>>) dst(%arg9 : memref<80xi32, #tpu.memory_space<vmem>>)
      tpu.yield
    }) : () -> ()
    %dma_start3A = arith.constant 0 : i32
    %dma_start3A_47 = arith.constant 0 : i32
    %dma_start3A_48 = tpu.memref_slice %arg2[%dma_start3A, %dma_start3A_47] : memref<10000x144xf32, #tpu.memory_space<hbm>> -> memref<10000x144xf32, #tpu.memory_space<hbm>>
    tpu.enqueue_indirect_dma source(%dma_start3A_48 : memref<10000x144xf32, #tpu.memory_space<hbm>>) target(%arg12 : memref<80x144xf32, #tpu.memory_space<vmem>>) offsets(%arg6 : memref<80xi32, #tpu.memory_space<vmem>>) semaphore(%arg16 : memref<!tpu.dma_semaphore, #tpu.memory_space<semaphore_mem>>)
    %dma_start3A_49 = arith.constant 0 : i32
    %dma_start3A_50 = arith.constant 0 : i32
    %dma_start3A_51 = tpu.memref_slice %arg2[%dma_start3A_49, %dma_start3A_50] : memref<10000x144xf32, #tpu.memory_space<hbm>> -> memref<10000x144xf32, #tpu.memory_space<hbm>>
    tpu.enqueue_indirect_dma source(%dma_start3A_51 : memref<10000x144xf32, #tpu.memory_space<hbm>>) target(%arg13 : memref<80x144xf32, #tpu.memory_space<vmem>>) offsets(%arg8 : memref<80xi32, #tpu.memory_space<vmem>>) semaphore(%arg16 : memref<!tpu.dma_semaphore, #tpu.memory_space<semaphore_mem>>)
    %dma_wait3A = arith.constant 0 : i32
    %dma_wait3A_52 = arith.constant 0 : i32
    %dma_wait3A_53 = tpu.memref_slice %arg2[%dma_wait3A, %dma_wait3A_52] : memref<10000x144xf32, #tpu.memory_space<hbm>> -> memref<10000x144xf32, #tpu.memory_space<hbm>>
    tpu.wait_indirect_dma semaphore(%arg16 : memref<!tpu.dma_semaphore, #tpu.memory_space<semaphore_mem>>) src(%dma_wait3A_53 : memref<10000x144xf32, #tpu.memory_space<hbm>>) dst(%arg12 : memref<80x144xf32, #tpu.memory_space<vmem>>)
    %add3A_54 = arith.constant 160 : i32
    %add3A_55 = arith.addi %mul3A_2, %add3A_54 : i32
    "tpu.region"() ({
      %run_scoped3A = tpu.sem_alloc : memref<!tpu.dma_semaphore, #tpu.memory_space<semaphore_mem>>
      %dma_start3A_155 = tpu.memref_slice %arg3[%add3A_55] : memref<320000xi32, #tpu.memory_space<hbm>> -> memref<80xi32, #tpu.memory_space<hbm>>
      %dma_start3A_156 = tpu.memref_slice %arg3[%add3A_55] : memref<320000xi32, #tpu.memory_space<hbm>> -> memref<80xi32, #tpu.memory_space<hbm>>
      tpu.enqueue_dma source(%dma_start3A_156 : memref<80xi32, #tpu.memory_space<hbm>>) target(%arg10 : memref<80xi32, #tpu.memory_space<vmem>>) target_semaphore(%run_scoped3A : memref<!tpu.dma_semaphore, #tpu.memory_space<semaphore_mem>>)
      %dma_wait3A_157 = tpu.memref_slice %arg3[%add3A_55] : memref<320000xi32, #tpu.memory_space<hbm>> -> memref<80xi32, #tpu.memory_space<hbm>>
      %dma_wait3A_158 = tpu.memref_slice %arg3[%add3A_55] : memref<320000xi32, #tpu.memory_space<hbm>> -> memref<80xi32, #tpu.memory_space<hbm>>
      tpu.wait_dma2 semaphore(%run_scoped3A : memref<!tpu.dma_semaphore, #tpu.memory_space<semaphore_mem>>) src(%dma_wait3A_158 : memref<80xi32, #tpu.memory_space<hbm>>) dst(%arg10 : memref<80xi32, #tpu.memory_space<vmem>>)
      tpu.yield
    }) : () -> ()
    %add3A_56 = arith.constant 160 : i32
    %add3A_57 = arith.addi %mul3A_2, %add3A_56 : i32
    "tpu.region"() ({
      %run_scoped3A = tpu.sem_alloc : memref<!tpu.dma_semaphore, #tpu.memory_space<semaphore_mem>>
      %dma_start3A_155 = tpu.memref_slice %arg4[%add3A_57] : memref<320000xi32, #tpu.memory_space<hbm>> -> memref<80xi32, #tpu.memory_space<hbm>>
      %dma_start3A_156 = tpu.memref_slice %arg4[%add3A_57] : memref<320000xi32, #tpu.memory_space<hbm>> -> memref<80xi32, #tpu.memory_space<hbm>>
      tpu.enqueue_dma source(%dma_start3A_156 : memref<80xi32, #tpu.memory_space<hbm>>) target(%arg11 : memref<80xi32, #tpu.memory_space<vmem>>) target_semaphore(%run_scoped3A : memref<!tpu.dma_semaphore, #tpu.memory_space<semaphore_mem>>)
      %dma_wait3A_157 = tpu.memref_slice %arg4[%add3A_57] : memref<320000xi32, #tpu.memory_space<hbm>> -> memref<80xi32, #tpu.memory_space<hbm>>
      %dma_wait3A_158 = tpu.memref_slice %arg4[%add3A_57] : memref<320000xi32, #tpu.memory_space<hbm>> -> memref<80xi32, #tpu.memory_space<hbm>>
      tpu.wait_dma2 semaphore(%run_scoped3A : memref<!tpu.dma_semaphore, #tpu.memory_space<semaphore_mem>>) src(%dma_wait3A_158 : memref<80xi32, #tpu.memory_space<hbm>>) dst(%arg11 : memref<80xi32, #tpu.memory_space<vmem>>)
      tpu.yield
    }) : () -> ()
    %dma_start3A_58 = arith.constant 0 : i32
    %dma_start3A_59 = arith.constant 0 : i32
    %dma_start3A_60 = tpu.memref_slice %arg2[%dma_start3A_58, %dma_start3A_59] : memref<10000x144xf32, #tpu.memory_space<hbm>> -> memref<10000x144xf32, #tpu.memory_space<hbm>>
    tpu.enqueue_indirect_dma source(%dma_start3A_60 : memref<10000x144xf32, #tpu.memory_space<hbm>>) target(%arg14 : memref<80x144xf32, #tpu.memory_space<vmem>>) offsets(%arg10 : memref<80xi32, #tpu.memory_space<vmem>>) semaphore(%arg16 : memref<!tpu.dma_semaphore, #tpu.memory_space<semaphore_mem>>)
    %dma_start3A_61 = arith.constant 0 : i32
    %dma_start3A_62 = arith.constant 0 : i32
    %dma_start3A_63 = tpu.memref_slice %arg15[%dma_start3A_61, %dma_start3A_62] : memref<10240x144xf32, #tpu.memory_space<vmem_shared>> -> memref<10240x144xf32, #tpu.memory_space<vmem_shared>>
    tpu.enqueue_indirect_dma source(%arg12 : memref<80x144xf32, #tpu.memory_space<vmem>>) target(%dma_start3A_63 : memref<10240x144xf32, #tpu.memory_space<vmem_shared>>) offsets(%arg7 : memref<80xi32, #tpu.memory_space<vmem>>) semaphore(%arg17 : memref<!tpu.dma_semaphore, #tpu.memory_space<semaphore_mem>>) {add = true}
    %scan3A_64 = arith.constant 0 : i32
    %scan3A_65 = arith.constant 40 : i32
    %scan3A_66 = arith.addi %scan3A_64, %scan3A_65 : i32
    %scan3A_67 = arith.constant 1 : i32
    scf.for %scan3A_155 = %scan3A_64 to %scan3A_66 step %scan3A_67  : i32 {
      %mul3A_156 = arith.constant 3 : i32
      %mul3A_157 = arith.muli %mul3A_156, %scan3A_155 : i32
      %add3A_158 = arith.constant 1 : i32
      %add3A_159 = arith.addi %add3A_158, %mul3A_157 : i32
      %add3A_160 = arith.constant 0 : i32
      %add3A_161 = arith.addi %add3A_159, %add3A_160 : i32
      %dma_wait3A_162 = arith.constant 0 : i32
      %dma_wait3A_163 = arith.constant 0 : i32
      %dma_wait3A_164 = tpu.memref_slice %arg2[%dma_wait3A_162, %dma_wait3A_163] : memref<10000x144xf32, #tpu.memory_space<hbm>> -> memref<10000x144xf32, #tpu.memory_space<hbm>>
      tpu.wait_indirect_dma semaphore(%arg16 : memref<!tpu.dma_semaphore, #tpu.memory_space<semaphore_mem>>) src(%dma_wait3A_164 : memref<10000x144xf32, #tpu.memory_space<hbm>>) dst(%arg13 : memref<80x144xf32, #tpu.memory_space<vmem>>)
      %dma_wait3A_165 = arith.constant 0 : i32
      %dma_wait3A_166 = arith.constant 0 : i32
      %dma_wait3A_167 = tpu.memref_slice %arg15[%dma_wait3A_165, %dma_wait3A_166] : memref<10240x144xf32, #tpu.memory_space<vmem_shared>> -> memref<10240x144xf32, #tpu.memory_space<vmem_shared>>
      tpu.wait_indirect_dma semaphore(%arg17 : memref<!tpu.dma_semaphore, #tpu.memory_space<semaphore_mem>>) src(%arg12 : memref<80x144xf32, #tpu.memory_space<vmem>>) dst(%dma_wait3A_167 : memref<10240x144xf32, #tpu.memory_space<vmem_shared>>)
      %add3A_168 = arith.constant 2 : i32
      %add3A_169 = arith.addi %add3A_161, %add3A_168 : i32
      %mul3A_170 = arith.constant 80 : i32
      %mul3A_171 = arith.muli %add3A_169, %mul3A_170 : i32
      %add3A_172 = arith.addi %mul3A_2, %mul3A_171 : i32
      "tpu.region"() ({
        %run_scoped3A = tpu.sem_alloc : memref<!tpu.dma_semaphore, #tpu.memory_space<semaphore_mem>>
        %dma_start3A_226 = tpu.memref_slice %arg3[%add3A_172] : memref<320000xi32, #tpu.memory_space<hbm>> -> memref<80xi32, #tpu.memory_space<hbm>>
        %dma_start3A_227 = tpu.memref_slice %arg3[%add3A_172] : memref<320000xi32, #tpu.memory_space<hbm>> -> memref<80xi32, #tpu.memory_space<hbm>>
        tpu.enqueue_dma source(%dma_start3A_227 : memref<80xi32, #tpu.memory_space<hbm>>) target(%arg6 : memref<80xi32, #tpu.memory_space<vmem>>) target_semaphore(%run_scoped3A : memref<!tpu.dma_semaphore, #tpu.memory_space<semaphore_mem>>)
        %dma_wait3A_228 = tpu.memref_slice %arg3[%add3A_172] : memref<320000xi32, #tpu.memory_space<hbm>> -> memref<80xi32, #tpu.memory_space<hbm>>
        %dma_wait3A_229 = tpu.memref_slice %arg3[%add3A_172] : memref<320000xi32, #tpu.memory_space<hbm>> -> memref<80xi32, #tpu.memory_space<hbm>>
        tpu.wait_dma2 semaphore(%run_scoped3A : memref<!tpu.dma_semaphore, #tpu.memory_space<semaphore_mem>>) src(%dma_wait3A_229 : memref<80xi32, #tpu.memory_space<hbm>>) dst(%arg6 : memref<80xi32, #tpu.memory_space<vmem>>)
        tpu.yield
      }) : () -> ()
      %mul3A_173 = arith.constant 80 : i32
      %mul3A_174 = arith.muli %add3A_169, %mul3A_173 : i32
      %add3A_175 = arith.addi %mul3A_2, %mul3A_174 : i32
      "tpu.region"() ({
        %run_scoped3A = tpu.sem_alloc : memref<!tpu.dma_semaphore, #tpu.memory_space<semaphore_mem>>
        %dma_start3A_226 = tpu.memref_slice %arg4[%add3A_175] : memref<320000xi32, #tpu.memory_space<hbm>> -> memref<80xi32, #tpu.memory_space<hbm>>
        %dma_start3A_227 = tpu.memref_slice %arg4[%add3A_175] : memref<320000xi32, #tpu.memory_space<hbm>> -> memref<80xi32, #tpu.memory_space<hbm>>
        tpu.enqueue_dma source(%dma_start3A_227 : memref<80xi32, #tpu.memory_space<hbm>>) target(%arg7 : memref<80xi32, #tpu.memory_space<vmem>>) target_semaphore(%run_scoped3A : memref<!tpu.dma_semaphore, #tpu.memory_space<semaphore_mem>>)
        %dma_wait3A_228 = tpu.memref_slice %arg4[%add3A_175] : memref<320000xi32, #tpu.memory_space<hbm>> -> memref<80xi32, #tpu.memory_space<hbm>>
        %dma_wait3A_229 = tpu.memref_slice %arg4[%add3A_175] : memref<320000xi32, #tpu.memory_space<hbm>> -> memref<80xi32, #tpu.memory_space<hbm>>
        tpu.wait_dma2 semaphore(%run_scoped3A : memref<!tpu.dma_semaphore, #tpu.memory_space<semaphore_mem>>) src(%dma_wait3A_229 : memref<80xi32, #tpu.memory_space<hbm>>) dst(%arg7 : memref<80xi32, #tpu.memory_space<vmem>>)
        tpu.yield
      }) : () -> ()
      %dma_start3A_176 = arith.constant 0 : i32
      %dma_start3A_177 = arith.constant 0 : i32
      %dma_start3A_178 = tpu.memref_slice %arg2[%dma_start3A_176, %dma_start3A_177] : memref<10000x144xf32, #tpu.memory_space<hbm>> -> memref<10000x144xf32, #tpu.memory_space<hbm>>
      tpu.enqueue_indirect_dma source(%dma_start3A_178 : memref<10000x144xf32, #tpu.memory_space<hbm>>) target(%arg12 : memref<80x144xf32, #tpu.memory_space<vmem>>) offsets(%arg6 : memref<80xi32, #tpu.memory_space<vmem>>) semaphore(%arg16 : memref<!tpu.dma_semaphore, #tpu.memory_space<semaphore_mem>>)
      %dma_start3A_179 = arith.constant 0 : i32
      %dma_start3A_180 = arith.constant 0 : i32
      %dma_start3A_181 = tpu.memref_slice %arg15[%dma_start3A_179, %dma_start3A_180] : memref<10240x144xf32, #tpu.memory_space<vmem_shared>> -> memref<10240x144xf32, #tpu.memory_space<vmem_shared>>
      tpu.enqueue_indirect_dma source(%arg13 : memref<80x144xf32, #tpu.memory_space<vmem>>) target(%dma_start3A_181 : memref<10240x144xf32, #tpu.memory_space<vmem_shared>>) offsets(%arg9 : memref<80xi32, #tpu.memory_space<vmem>>) semaphore(%arg17 : memref<!tpu.dma_semaphore, #tpu.memory_space<semaphore_mem>>) {add = true}
      %add3A_182 = arith.constant 1 : i32
      %add3A_183 = arith.addi %add3A_159, %add3A_182 : i32
      %dma_wait3A_184 = arith.constant 0 : i32
      %dma_wait3A_185 = arith.constant 0 : i32
      %dma_wait3A_186 = tpu.memref_slice %arg2[%dma_wait3A_184, %dma_wait3A_185] : memref<10000x144xf32, #tpu.memory_space<hbm>> -> memref<10000x144xf32, #tpu.memory_space<hbm>>
      tpu.wait_indirect_dma semaphore(%arg16 : memref<!tpu.dma_semaphore, #tpu.memory_space<semaphore_mem>>) src(%dma_wait3A_186 : memref<10000x144xf32, #tpu.memory_space<hbm>>) dst(%arg14 : memref<80x144xf32, #tpu.memory_space<vmem>>)
      %dma_wait3A_187 = arith.constant 0 : i32
      %dma_wait3A_188 = arith.constant 0 : i32
      %dma_wait3A_189 = tpu.memref_slice %arg15[%dma_wait3A_187, %dma_wait3A_188] : memref<10240x144xf32, #tpu.memory_space<vmem_shared>> -> memref<10240x144xf32, #tpu.memory_space<vmem_shared>>
      tpu.wait_indirect_dma semaphore(%arg17 : memref<!tpu.dma_semaphore, #tpu.memory_space<semaphore_mem>>) src(%arg13 : memref<80x144xf32, #tpu.memory_space<vmem>>) dst(%dma_wait3A_189 : memref<10240x144xf32, #tpu.memory_space<vmem_shared>>)
      %add3A_190 = arith.constant 2 : i32
      %add3A_191 = arith.addi %add3A_183, %add3A_190 : i32
      %mul3A_192 = arith.constant 80 : i32
      %mul3A_193 = arith.muli %add3A_191, %mul3A_192 : i32
      %add3A_194 = arith.addi %mul3A_2, %mul3A_193 : i32
      "tpu.region"() ({
        %run_scoped3A = tpu.sem_alloc : memref<!tpu.dma_semaphore, #tpu.memory_space<semaphore_mem>>
        %dma_start3A_226 = tpu.memref_slice %arg3[%add3A_194] : memref<320000xi32, #tpu.memory_space<hbm>> -> memref<80xi32, #tpu.memory_space<hbm>>
        %dma_start3A_227 = tpu.memref_slice %arg3[%add3A_194] : memref<320000xi32, #tpu.memory_space<hbm>> -> memref<80xi32, #tpu.memory_space<hbm>>
        tpu.enqueue_dma source(%dma_start3A_227 : memref<80xi32, #tpu.memory_space<hbm>>) target(%arg8 : memref<80xi32, #tpu.memory_space<vmem>>) target_semaphore(%run_scoped3A : memref<!tpu.dma_semaphore, #tpu.memory_space<semaphore_mem>>)
        %dma_wait3A_228 = tpu.memref_slice %arg3[%add3A_194] : memref<320000xi32, #tpu.memory_space<hbm>> -> memref<80xi32, #tpu.memory_space<hbm>>
        %dma_wait3A_229 = tpu.memref_slice %arg3[%add3A_194] : memref<320000xi32, #tpu.memory_space<hbm>> -> memref<80xi32, #tpu.memory_space<hbm>>
        tpu.wait_dma2 semaphore(%run_scoped3A : memref<!tpu.dma_semaphore, #tpu.memory_space<semaphore_mem>>) src(%dma_wait3A_229 : memref<80xi32, #tpu.memory_space<hbm>>) dst(%arg8 : memref<80xi32, #tpu.memory_space<vmem>>)
        tpu.yield
      }) : () -> ()
      %mul3A_195 = arith.constant 80 : i32
      %mul3A_196 = arith.muli %add3A_191, %mul3A_195 : i32
      %add3A_197 = arith.addi %mul3A_2, %mul3A_196 : i32
      "tpu.region"() ({
        %run_scoped3A = tpu.sem_alloc : memref<!tpu.dma_semaphore, #tpu.memory_space<semaphore_mem>>
        %dma_start3A_226 = tpu.memref_slice %arg4[%add3A_197] : memref<320000xi32, #tpu.memory_space<hbm>> -> memref<80xi32, #tpu.memory_space<hbm>>
        %dma_start3A_227 = tpu.memref_slice %arg4[%add3A_197] : memref<320000xi32, #tpu.memory_space<hbm>> -> memref<80xi32, #tpu.memory_space<hbm>>
        tpu.enqueue_dma source(%dma_start3A_227 : memref<80xi32, #tpu.memory_space<hbm>>) target(%arg9 : memref<80xi32, #tpu.memory_space<vmem>>) target_semaphore(%run_scoped3A : memref<!tpu.dma_semaphore, #tpu.memory_space<semaphore_mem>>)
        %dma_wait3A_228 = tpu.memref_slice %arg4[%add3A_197] : memref<320000xi32, #tpu.memory_space<hbm>> -> memref<80xi32, #tpu.memory_space<hbm>>
        %dma_wait3A_229 = tpu.memref_slice %arg4[%add3A_197] : memref<320000xi32, #tpu.memory_space<hbm>> -> memref<80xi32, #tpu.memory_space<hbm>>
        tpu.wait_dma2 semaphore(%run_scoped3A : memref<!tpu.dma_semaphore, #tpu.memory_space<semaphore_mem>>) src(%dma_wait3A_229 : memref<80xi32, #tpu.memory_space<hbm>>) dst(%arg9 : memref<80xi32, #tpu.memory_space<vmem>>)
        tpu.yield
      }) : () -> ()
      %dma_start3A_198 = arith.constant 0 : i32
      %dma_start3A_199 = arith.constant 0 : i32
      %dma_start3A_200 = tpu.memref_slice %arg2[%dma_start3A_198, %dma_start3A_199] : memref<10000x144xf32, #tpu.memory_space<hbm>> -> memref<10000x144xf32, #tpu.memory_space<hbm>>
      tpu.enqueue_indirect_dma source(%dma_start3A_200 : memref<10000x144xf32, #tpu.memory_space<hbm>>) target(%arg13 : memref<80x144xf32, #tpu.memory_space<vmem>>) offsets(%arg8 : memref<80xi32, #tpu.memory_space<vmem>>) semaphore(%arg16 : memref<!tpu.dma_semaphore, #tpu.memory_space<semaphore_mem>>)
      %dma_start3A_201 = arith.constant 0 : i32
      %dma_start3A_202 = arith.constant 0 : i32
      %dma_start3A_203 = tpu.memref_slice %arg15[%dma_start3A_201, %dma_start3A_202] : memref<10240x144xf32, #tpu.memory_space<vmem_shared>> -> memref<10240x144xf32, #tpu.memory_space<vmem_shared>>
      tpu.enqueue_indirect_dma source(%arg14 : memref<80x144xf32, #tpu.memory_space<vmem>>) target(%dma_start3A_203 : memref<10240x144xf32, #tpu.memory_space<vmem_shared>>) offsets(%arg11 : memref<80xi32, #tpu.memory_space<vmem>>) semaphore(%arg17 : memref<!tpu.dma_semaphore, #tpu.memory_space<semaphore_mem>>) {add = true}
      %add3A_204 = arith.constant 2 : i32
      %add3A_205 = arith.addi %add3A_159, %add3A_204 : i32
      %dma_wait3A_206 = arith.constant 0 : i32
      %dma_wait3A_207 = arith.constant 0 : i32
      %dma_wait3A_208 = tpu.memref_slice %arg2[%dma_wait3A_206, %dma_wait3A_207] : memref<10000x144xf32, #tpu.memory_space<hbm>> -> memref<10000x144xf32, #tpu.memory_space<hbm>>
      tpu.wait_indirect_dma semaphore(%arg16 : memref<!tpu.dma_semaphore, #tpu.memory_space<semaphore_mem>>) src(%dma_wait3A_208 : memref<10000x144xf32, #tpu.memory_space<hbm>>) dst(%arg12 : memref<80x144xf32, #tpu.memory_space<vmem>>)
      %dma_wait3A_209 = arith.constant 0 : i32
      %dma_wait3A_210 = arith.constant 0 : i32
      %dma_wait3A_211 = tpu.memref_slice %arg15[%dma_wait3A_209, %dma_wait3A_210] : memref<10240x144xf32, #tpu.memory_space<vmem_shared>> -> memref<10240x144xf32, #tpu.memory_space<vmem_shared>>
      tpu.wait_indirect_dma semaphore(%arg17 : memref<!tpu.dma_semaphore, #tpu.memory_space<semaphore_mem>>) src(%arg14 : memref<80x144xf32, #tpu.memory_space<vmem>>) dst(%dma_wait3A_211 : memref<10240x144xf32, #tpu.memory_space<vmem_shared>>)
      %add3A_212 = arith.constant 2 : i32
      %add3A_213 = arith.addi %add3A_205, %add3A_212 : i32
      %mul3A_214 = arith.constant 80 : i32
      %mul3A_215 = arith.muli %add3A_213, %mul3A_214 : i32
      %add3A_216 = arith.addi %mul3A_2, %mul3A_215 : i32
      "tpu.region"() ({
        %run_scoped3A = tpu.sem_alloc : memref<!tpu.dma_semaphore, #tpu.memory_space<semaphore_mem>>
        %dma_start3A_226 = tpu.memref_slice %arg3[%add3A_216] : memref<320000xi32, #tpu.memory_space<hbm>> -> memref<80xi32, #tpu.memory_space<hbm>>
        %dma_start3A_227 = tpu.memref_slice %arg3[%add3A_216] : memref<320000xi32, #tpu.memory_space<hbm>> -> memref<80xi32, #tpu.memory_space<hbm>>
        tpu.enqueue_dma source(%dma_start3A_227 : memref<80xi32, #tpu.memory_space<hbm>>) target(%arg10 : memref<80xi32, #tpu.memory_space<vmem>>) target_semaphore(%run_scoped3A : memref<!tpu.dma_semaphore, #tpu.memory_space<semaphore_mem>>)
        %dma_wait3A_228 = tpu.memref_slice %arg3[%add3A_216] : memref<320000xi32, #tpu.memory_space<hbm>> -> memref<80xi32, #tpu.memory_space<hbm>>
        %dma_wait3A_229 = tpu.memref_slice %arg3[%add3A_216] : memref<320000xi32, #tpu.memory_space<hbm>> -> memref<80xi32, #tpu.memory_space<hbm>>
        tpu.wait_dma2 semaphore(%run_scoped3A : memref<!tpu.dma_semaphore, #tpu.memory_space<semaphore_mem>>) src(%dma_wait3A_229 : memref<80xi32, #tpu.memory_space<hbm>>) dst(%arg10 : memref<80xi32, #tpu.memory_space<vmem>>)
        tpu.yield
      }) : () -> ()
      %mul3A_217 = arith.constant 80 : i32
      %mul3A_218 = arith.muli %add3A_213, %mul3A_217 : i32
      %add3A_219 = arith.addi %mul3A_2, %mul3A_218 : i32
      "tpu.region"() ({
        %run_scoped3A = tpu.sem_alloc : memref<!tpu.dma_semaphore, #tpu.memory_space<semaphore_mem>>
        %dma_start3A_226 = tpu.memref_slice %arg4[%add3A_219] : memref<320000xi32, #tpu.memory_space<hbm>> -> memref<80xi32, #tpu.memory_space<hbm>>
        %dma_start3A_227 = tpu.memref_slice %arg4[%add3A_219] : memref<320000xi32, #tpu.memory_space<hbm>> -> memref<80xi32, #tpu.memory_space<hbm>>
        tpu.enqueue_dma source(%dma_start3A_227 : memref<80xi32, #tpu.memory_space<hbm>>) target(%arg11 : memref<80xi32, #tpu.memory_space<vmem>>) target_semaphore(%run_scoped3A : memref<!tpu.dma_semaphore, #tpu.memory_space<semaphore_mem>>)
        %dma_wait3A_228 = tpu.memref_slice %arg4[%add3A_219] : memref<320000xi32, #tpu.memory_space<hbm>> -> memref<80xi32, #tpu.memory_space<hbm>>
        %dma_wait3A_229 = tpu.memref_slice %arg4[%add3A_219] : memref<320000xi32, #tpu.memory_space<hbm>> -> memref<80xi32, #tpu.memory_space<hbm>>
        tpu.wait_dma2 semaphore(%run_scoped3A : memref<!tpu.dma_semaphore, #tpu.memory_space<semaphore_mem>>) src(%dma_wait3A_229 : memref<80xi32, #tpu.memory_space<hbm>>) dst(%arg11 : memref<80xi32, #tpu.memory_space<vmem>>)
        tpu.yield
      }) : () -> ()
      %dma_start3A_220 = arith.constant 0 : i32
      %dma_start3A_221 = arith.constant 0 : i32
      %dma_start3A_222 = tpu.memref_slice %arg2[%dma_start3A_220, %dma_start3A_221] : memref<10000x144xf32, #tpu.memory_space<hbm>> -> memref<10000x144xf32, #tpu.memory_space<hbm>>
      tpu.enqueue_indirect_dma source(%dma_start3A_222 : memref<10000x144xf32, #tpu.memory_space<hbm>>) target(%arg14 : memref<80x144xf32, #tpu.memory_space<vmem>>) offsets(%arg10 : memref<80xi32, #tpu.memory_space<vmem>>) semaphore(%arg16 : memref<!tpu.dma_semaphore, #tpu.memory_space<semaphore_mem>>)
      %dma_start3A_223 = arith.constant 0 : i32
      %dma_start3A_224 = arith.constant 0 : i32
      %dma_start3A_225 = tpu.memref_slice %arg15[%dma_start3A_223, %dma_start3A_224] : memref<10240x144xf32, #tpu.memory_space<vmem_shared>> -> memref<10240x144xf32, #tpu.memory_space<vmem_shared>>
      tpu.enqueue_indirect_dma source(%arg12 : memref<80x144xf32, #tpu.memory_space<vmem>>) target(%dma_start3A_225 : memref<10240x144xf32, #tpu.memory_space<vmem_shared>>) offsets(%arg7 : memref<80xi32, #tpu.memory_space<vmem>>) semaphore(%arg17 : memref<!tpu.dma_semaphore, #tpu.memory_space<semaphore_mem>>) {add = true}
    }
    %scan3A_68 = arith.constant 40 : i32
    %dma_wait3A_69 = arith.constant 0 : i32
    %dma_wait3A_70 = arith.constant 0 : i32
    %dma_wait3A_71 = tpu.memref_slice %arg2[%dma_wait3A_69, %dma_wait3A_70] : memref<10000x144xf32, #tpu.memory_space<hbm>> -> memref<10000x144xf32, #tpu.memory_space<hbm>>
    tpu.wait_indirect_dma semaphore(%arg16 : memref<!tpu.dma_semaphore, #tpu.memory_space<semaphore_mem>>) src(%dma_wait3A_71 : memref<10000x144xf32, #tpu.memory_space<hbm>>) dst(%arg13 : memref<80x144xf32, #tpu.memory_space<vmem>>)
    %dma_wait3A_72 = arith.constant 0 : i32
    %dma_wait3A_73 = arith.constant 0 : i32
    %dma_wait3A_74 = tpu.memref_slice %arg15[%dma_wait3A_72, %dma_wait3A_73] : memref<10240x144xf32, #tpu.memory_space<vmem_shared>> -> memref<10240x144xf32, #tpu.memory_space<vmem_shared>>
    tpu.wait_indirect_dma semaphore(%arg17 : memref<!tpu.dma_semaphore, #tpu.memory_space<semaphore_mem>>) src(%arg12 : memref<80x144xf32, #tpu.memory_space<vmem>>) dst(%dma_wait3A_74 : memref<10240x144xf32, #tpu.memory_space<vmem_shared>>)
    %add3A_75 = arith.constant 9840 : i32
    %add3A_76 = arith.addi %mul3A_2, %add3A_75 : i32
    "tpu.region"() ({
      %run_scoped3A = tpu.sem_alloc : memref<!tpu.dma_semaphore, #tpu.memory_space<semaphore_mem>>
      %dma_start3A_155 = tpu.memref_slice %arg3[%add3A_76] : memref<320000xi32, #tpu.memory_space<hbm>> -> memref<80xi32, #tpu.memory_space<hbm>>
      %dma_start3A_156 = tpu.memref_slice %arg3[%add3A_76] : memref<320000xi32, #tpu.memory_space<hbm>> -> memref<80xi32, #tpu.memory_space<hbm>>
      tpu.enqueue_dma source(%dma_start3A_156 : memref<80xi32, #tpu.memory_space<hbm>>) target(%arg6 : memref<80xi32, #tpu.memory_space<vmem>>) target_semaphore(%run_scoped3A : memref<!tpu.dma_semaphore, #tpu.memory_space<semaphore_mem>>)
      %dma_wait3A_157 = tpu.memref_slice %arg3[%add3A_76] : memref<320000xi32, #tpu.memory_space<hbm>> -> memref<80xi32, #tpu.memory_space<hbm>>
      %dma_wait3A_158 = tpu.memref_slice %arg3[%add3A_76] : memref<320000xi32, #tpu.memory_space<hbm>> -> memref<80xi32, #tpu.memory_space<hbm>>
      tpu.wait_dma2 semaphore(%run_scoped3A : memref<!tpu.dma_semaphore, #tpu.memory_space<semaphore_mem>>) src(%dma_wait3A_158 : memref<80xi32, #tpu.memory_space<hbm>>) dst(%arg6 : memref<80xi32, #tpu.memory_space<vmem>>)
      tpu.yield
    }) : () -> ()
    %add3A_77 = arith.constant 9840 : i32
    %add3A_78 = arith.addi %mul3A_2, %add3A_77 : i32
    "tpu.region"() ({
      %run_scoped3A = tpu.sem_alloc : memref<!tpu.dma_semaphore, #tpu.memory_space<semaphore_mem>>
      %dma_start3A_155 = tpu.memref_slice %arg4[%add3A_78] : memref<320000xi32, #tpu.memory_space<hbm>> -> memref<80xi32, #tpu.memory_space<hbm>>
      %dma_start3A_156 = tpu.memref_slice %arg4[%add3A_78] : memref<320000xi32, #tpu.memory_space<hbm>> -> memref<80xi32, #tpu.memory_space<hbm>>
      tpu.enqueue_dma source(%dma_start3A_156 : memref<80xi32, #tpu.memory_space<hbm>>) target(%arg7 : memref<80xi32, #tpu.memory_space<vmem>>) target_semaphore(%run_scoped3A : memref<!tpu.dma_semaphore, #tpu.memory_space<semaphore_mem>>)
      %dma_wait3A_157 = tpu.memref_slice %arg4[%add3A_78] : memref<320000xi32, #tpu.memory_space<hbm>> -> memref<80xi32, #tpu.memory_space<hbm>>
      %dma_wait3A_158 = tpu.memref_slice %arg4[%add3A_78] : memref<320000xi32, #tpu.memory_space<hbm>> -> memref<80xi32, #tpu.memory_space<hbm>>
      tpu.wait_dma2 semaphore(%run_scoped3A : memref<!tpu.dma_semaphore, #tpu.memory_space<semaphore_mem>>) src(%dma_wait3A_158 : memref<80xi32, #tpu.memory_space<hbm>>) dst(%arg7 : memref<80xi32, #tpu.memory_space<vmem>>)
      tpu.yield
    }) : () -> ()
    %dma_start3A_79 = arith.constant 0 : i32
    %dma_start3A_80 = arith.constant 0 : i32
    %dma_start3A_81 = tpu.memref_slice %arg2[%dma_start3A_79, %dma_start3A_80] : memref<10000x144xf32, #tpu.memory_space<hbm>> -> memref<10000x144xf32, #tpu.memory_space<hbm>>
    tpu.enqueue_indirect_dma source(%dma_start3A_81 : memref<10000x144xf32, #tpu.memory_space<hbm>>) target(%arg12 : memref<80x144xf32, #tpu.memory_space<vmem>>) offsets(%arg6 : memref<80xi32, #tpu.memory_space<vmem>>) semaphore(%arg16 : memref<!tpu.dma_semaphore, #tpu.memory_space<semaphore_mem>>)
    %dma_start3A_82 = arith.constant 0 : i32
    %dma_start3A_83 = arith.constant 0 : i32
    %dma_start3A_84 = tpu.memref_slice %arg15[%dma_start3A_82, %dma_start3A_83] : memref<10240x144xf32, #tpu.memory_space<vmem_shared>> -> memref<10240x144xf32, #tpu.memory_space<vmem_shared>>
    tpu.enqueue_indirect_dma source(%arg13 : memref<80x144xf32, #tpu.memory_space<vmem>>) target(%dma_start3A_84 : memref<10240x144xf32, #tpu.memory_space<vmem_shared>>) offsets(%arg9 : memref<80xi32, #tpu.memory_space<vmem>>) semaphore(%arg17 : memref<!tpu.dma_semaphore, #tpu.memory_space<semaphore_mem>>) {add = true}
    %dma_wait3A_85 = arith.constant 0 : i32
    %dma_wait3A_86 = arith.constant 0 : i32
    %dma_wait3A_87 = tpu.memref_slice %arg2[%dma_wait3A_85, %dma_wait3A_86] : memref<10000x144xf32, #tpu.memory_space<hbm>> -> memref<10000x144xf32, #tpu.memory_space<hbm>>
    tpu.wait_indirect_dma semaphore(%arg16 : memref<!tpu.dma_semaphore, #tpu.memory_space<semaphore_mem>>) src(%dma_wait3A_87 : memref<10000x144xf32, #tpu.memory_space<hbm>>) dst(%arg14 : memref<80x144xf32, #tpu.memory_space<vmem>>)
    %dma_wait3A_88 = arith.constant 0 : i32
    %dma_wait3A_89 = arith.constant 0 : i32
    %dma_wait3A_90 = tpu.memref_slice %arg15[%dma_wait3A_88, %dma_wait3A_89] : memref<10240x144xf32, #tpu.memory_space<vmem_shared>> -> memref<10240x144xf32, #tpu.memory_space<vmem_shared>>
    tpu.wait_indirect_dma semaphore(%arg17 : memref<!tpu.dma_semaphore, #tpu.memory_space<semaphore_mem>>) src(%arg13 : memref<80x144xf32, #tpu.memory_space<vmem>>) dst(%dma_wait3A_90 : memref<10240x144xf32, #tpu.memory_space<vmem_shared>>)
    %add3A_91 = arith.constant 9920 : i32
    %add3A_92 = arith.addi %mul3A_2, %add3A_91 : i32
    "tpu.region"() ({
      %run_scoped3A = tpu.sem_alloc : memref<!tpu.dma_semaphore, #tpu.memory_space<semaphore_mem>>
      %dma_start3A_155 = tpu.memref_slice %arg3[%add3A_92] : memref<320000xi32, #tpu.memory_space<hbm>> -> memref<80xi32, #tpu.memory_space<hbm>>
      %dma_start3A_156 = tpu.memref_slice %arg3[%add3A_92] : memref<320000xi32, #tpu.memory_space<hbm>> -> memref<80xi32, #tpu.memory_space<hbm>>
      tpu.enqueue_dma source(%dma_start3A_156 : memref<80xi32, #tpu.memory_space<hbm>>) target(%arg8 : memref<80xi32, #tpu.memory_space<vmem>>) target_semaphore(%run_scoped3A : memref<!tpu.dma_semaphore, #tpu.memory_space<semaphore_mem>>)
      %dma_wait3A_157 = tpu.memref_slice %arg3[%add3A_92] : memref<320000xi32, #tpu.memory_space<hbm>> -> memref<80xi32, #tpu.memory_space<hbm>>
      %dma_wait3A_158 = tpu.memref_slice %arg3[%add3A_92] : memref<320000xi32, #tpu.memory_space<hbm>> -> memref<80xi32, #tpu.memory_space<hbm>>
      tpu.wait_dma2 semaphore(%run_scoped3A : memref<!tpu.dma_semaphore, #tpu.memory_space<semaphore_mem>>) src(%dma_wait3A_158 : memref<80xi32, #tpu.memory_space<hbm>>) dst(%arg8 : memref<80xi32, #tpu.memory_space<vmem>>)
      tpu.yield
    }) : () -> ()
    %add3A_93 = arith.constant 9920 : i32
    %add3A_94 = arith.addi %mul3A_2, %add3A_93 : i32
    "tpu.region"() ({
      %run_scoped3A = tpu.sem_alloc : memref<!tpu.dma_semaphore, #tpu.memory_space<semaphore_mem>>
      %dma_start3A_155 = tpu.memref_slice %arg4[%add3A_94] : memref<320000xi32, #tpu.memory_space<hbm>> -> memref<80xi32, #tpu.memory_space<hbm>>
      %dma_start3A_156 = tpu.memref_slice %arg4[%add3A_94] : memref<320000xi32, #tpu.memory_space<hbm>> -> memref<80xi32, #tpu.memory_space<hbm>>
      tpu.enqueue_dma source(%dma_start3A_156 : memref<80xi32, #tpu.memory_space<hbm>>) target(%arg9 : memref<80xi32, #tpu.memory_space<vmem>>) target_semaphore(%run_scoped3A : memref<!tpu.dma_semaphore, #tpu.memory_space<semaphore_mem>>)
      %dma_wait3A_157 = tpu.memref_slice %arg4[%add3A_94] : memref<320000xi32, #tpu.memory_space<hbm>> -> memref<80xi32, #tpu.memory_space<hbm>>
      %dma_wait3A_158 = tpu.memref_slice %arg4[%add3A_94] : memref<320000xi32, #tpu.memory_space<hbm>> -> memref<80xi32, #tpu.memory_space<hbm>>
      tpu.wait_dma2 semaphore(%run_scoped3A : memref<!tpu.dma_semaphore, #tpu.memory_space<semaphore_mem>>) src(%dma_wait3A_158 : memref<80xi32, #tpu.memory_space<hbm>>) dst(%arg9 : memref<80xi32, #tpu.memory_space<vmem>>)
      tpu.yield
    }) : () -> ()
    %dma_start3A_95 = arith.constant 0 : i32
    %dma_start3A_96 = arith.constant 0 : i32
    %dma_start3A_97 = tpu.memref_slice %arg2[%dma_start3A_95, %dma_start3A_96] : memref<10000x144xf32, #tpu.memory_space<hbm>> -> memref<10000x144xf32, #tpu.memory_space<hbm>>
    tpu.enqueue_indirect_dma source(%dma_start3A_97 : memref<10000x144xf32, #tpu.memory_space<hbm>>) target(%arg13 : memref<80x144xf32, #tpu.memory_space<vmem>>) offsets(%arg8 : memref<80xi32, #tpu.memory_space<vmem>>) semaphore(%arg16 : memref<!tpu.dma_semaphore, #tpu.memory_space<semaphore_mem>>)
    %dma_start3A_98 = arith.constant 0 : i32
    %dma_start3A_99 = arith.constant 0 : i32
    %dma_start3A_100 = tpu.memref_slice %arg15[%dma_start3A_98, %dma_start3A_99] : memref<10240x144xf32, #tpu.memory_space<vmem_shared>> -> memref<10240x144xf32, #tpu.memory_space<vmem_shared>>
    tpu.enqueue_indirect_dma source(%arg14 : memref<80x144xf32, #tpu.memory_space<vmem>>) target(%dma_start3A_100 : memref<10240x144xf32, #tpu.memory_space<vmem_shared>>) offsets(%arg11 : memref<80xi32, #tpu.memory_space<vmem>>) semaphore(%arg17 : memref<!tpu.dma_semaphore, #tpu.memory_space<semaphore_mem>>) {add = true}
    %dma_wait3A_101 = arith.constant 0 : i32
    %dma_wait3A_102 = arith.constant 0 : i32
    %dma_wait3A_103 = tpu.memref_slice %arg2[%dma_wait3A_101, %dma_wait3A_102] : memref<10000x144xf32, #tpu.memory_space<hbm>> -> memref<10000x144xf32, #tpu.memory_space<hbm>>
    tpu.wait_indirect_dma semaphore(%arg16 : memref<!tpu.dma_semaphore, #tpu.memory_space<semaphore_mem>>) src(%dma_wait3A_103 : memref<10000x144xf32, #tpu.memory_space<hbm>>) dst(%arg12 : memref<80x144xf32, #tpu.memory_space<vmem>>)
    %dma_wait3A_104 = arith.constant 0 : i32
    %dma_wait3A_105 = arith.constant 0 : i32
    %dma_wait3A_106 = tpu.memref_slice %arg15[%dma_wait3A_104, %dma_wait3A_105] : memref<10240x144xf32, #tpu.memory_space<vmem_shared>> -> memref<10240x144xf32, #tpu.memory_space<vmem_shared>>
    tpu.wait_indirect_dma semaphore(%arg17 : memref<!tpu.dma_semaphore, #tpu.memory_space<semaphore_mem>>) src(%arg14 : memref<80x144xf32, #tpu.memory_space<vmem>>) dst(%dma_wait3A_106 : memref<10240x144xf32, #tpu.memory_space<vmem_shared>>)
    %dma_start3A_107 = arith.constant 0 : i32
    %dma_start3A_108 = arith.constant 0 : i32
    %dma_start3A_109 = tpu.memref_slice %arg15[%dma_start3A_107, %dma_start3A_108] : memref<10240x144xf32, #tpu.memory_space<vmem_shared>> -> memref<10240x144xf32, #tpu.memory_space<vmem_shared>>
    tpu.enqueue_indirect_dma source(%arg12 : memref<80x144xf32, #tpu.memory_space<vmem>>) target(%dma_start3A_109 : memref<10240x144xf32, #tpu.memory_space<vmem_shared>>) offsets(%arg7 : memref<80xi32, #tpu.memory_space<vmem>>) semaphore(%arg17 : memref<!tpu.dma_semaphore, #tpu.memory_space<semaphore_mem>>) {add = true}
    %dma_wait3A_110 = arith.constant 0 : i32
    %dma_wait3A_111 = arith.constant 0 : i32
    %dma_wait3A_112 = tpu.memref_slice %arg2[%dma_wait3A_110, %dma_wait3A_111] : memref<10000x144xf32, #tpu.memory_space<hbm>> -> memref<10000x144xf32, #tpu.memory_space<hbm>>
    tpu.wait_indirect_dma semaphore(%arg16 : memref<!tpu.dma_semaphore, #tpu.memory_space<semaphore_mem>>) src(%dma_wait3A_112 : memref<10000x144xf32, #tpu.memory_space<hbm>>) dst(%arg13 : memref<80x144xf32, #tpu.memory_space<vmem>>)
    %dma_wait3A_113 = arith.constant 0 : i32
    %dma_wait3A_114 = arith.constant 0 : i32
    %dma_wait3A_115 = tpu.memref_slice %arg15[%dma_wait3A_113, %dma_wait3A_114] : memref<10240x144xf32, #tpu.memory_space<vmem_shared>> -> memref<10240x144xf32, #tpu.memory_space<vmem_shared>>
    tpu.wait_indirect_dma semaphore(%arg17 : memref<!tpu.dma_semaphore, #tpu.memory_space<semaphore_mem>>) src(%arg12 : memref<80x144xf32, #tpu.memory_space<vmem>>) dst(%dma_wait3A_115 : memref<10240x144xf32, #tpu.memory_space<vmem_shared>>)
    %dma_start3A_116 = arith.constant 0 : i32
    %dma_start3A_117 = arith.constant 0 : i32
    %dma_start3A_118 = tpu.memref_slice %arg15[%dma_start3A_116, %dma_start3A_117] : memref<10240x144xf32, #tpu.memory_space<vmem_shared>> -> memref<10240x144xf32, #tpu.memory_space<vmem_shared>>
    tpu.enqueue_indirect_dma source(%arg13 : memref<80x144xf32, #tpu.memory_space<vmem>>) target(%dma_start3A_118 : memref<10240x144xf32, #tpu.memory_space<vmem_shared>>) offsets(%arg9 : memref<80xi32, #tpu.memory_space<vmem>>) semaphore(%arg17 : memref<!tpu.dma_semaphore, #tpu.memory_space<semaphore_mem>>) {add = true}
    %dma_wait3A_119 = arith.constant 0 : i32
    %dma_wait3A_120 = arith.constant 0 : i32
    %dma_wait3A_121 = tpu.memref_slice %arg15[%dma_wait3A_119, %dma_wait3A_120] : memref<10240x144xf32, #tpu.memory_space<vmem_shared>> -> memref<10240x144xf32, #tpu.memory_space<vmem_shared>>
    tpu.wait_indirect_dma semaphore(%arg17 : memref<!tpu.dma_semaphore, #tpu.memory_space<semaphore_mem>>) src(%arg13 : memref<80x144xf32, #tpu.memory_space<vmem>>) dst(%dma_wait3A_121 : memref<10240x144xf32, #tpu.memory_space<vmem_shared>>)
    %barrier3A_122 = arith.constant 0 : index
    tpu.barrier barrier_id(%barrier3A_122)
    %add3A_123 = arith.constant 0 : i32
    %add3A_124 = arith.addi %arg1, %add3A_123 : i32
    %mul3A_125 = arith.constant 80 : i32
    %mul3A_126 = arith.muli %add3A_124, %mul3A_125 : i32
    "tpu.region"() ({
      %run_scoped3A = tpu.sem_alloc : memref<!tpu.dma_semaphore, #tpu.memory_space<semaphore_mem>>
      %dma_start3A_155 = arith.constant 0 : i32
      %dma_start3A_156 = tpu.memref_slice %arg15[%mul3A_126, %dma_start3A_155] : memref<10240x144xf32, #tpu.memory_space<vmem_shared>> -> memref<80x144xf32, #tpu.memory_space<vmem_shared>>
      %dma_start3A_157 = arith.constant 0 : i32
      %dma_start3A_158 = tpu.memref_slice %arg15[%mul3A_126, %dma_start3A_157] : memref<10240x144xf32, #tpu.memory_space<vmem_shared>> -> memref<80x144xf32, #tpu.memory_space<vmem_shared>>
      tpu.enqueue_dma source(%dma_start3A_158 : memref<80x144xf32, #tpu.memory_space<vmem_shared>>) target(%arg12 : memref<80x144xf32, #tpu.memory_space<vmem>>) target_semaphore(%run_scoped3A : memref<!tpu.dma_semaphore, #tpu.memory_space<semaphore_mem>>)
      %dma_wait3A_159 = arith.constant 0 : i32
      %dma_wait3A_160 = tpu.memref_slice %arg15[%mul3A_126, %dma_wait3A_159] : memref<10240x144xf32, #tpu.memory_space<vmem_shared>> -> memref<80x144xf32, #tpu.memory_space<vmem_shared>>
      %dma_wait3A_161 = arith.constant 0 : i32
      %dma_wait3A_162 = tpu.memref_slice %arg15[%mul3A_126, %dma_wait3A_161] : memref<10240x144xf32, #tpu.memory_space<vmem_shared>> -> memref<80x144xf32, #tpu.memory_space<vmem_shared>>
      tpu.wait_dma2 semaphore(%run_scoped3A : memref<!tpu.dma_semaphore, #tpu.memory_space<semaphore_mem>>) src(%dma_wait3A_162 : memref<80x144xf32, #tpu.memory_space<vmem_shared>>) dst(%arg12 : memref<80x144xf32, #tpu.memory_space<vmem>>)
      tpu.yield
    }) : () -> ()
    "tpu.region"() ({
      %run_scoped3A = tpu.sem_alloc : memref<!tpu.dma_semaphore, #tpu.memory_space<semaphore_mem>>
      %dma_start3A_155 = arith.constant 0 : i32
      %dma_start3A_156 = tpu.memref_slice %arg5[%arg0, %mul3A_126, %dma_start3A_155] : memref<2x10240x144xf32, #tpu.memory_space<hbm>> -> memref<1x80x144xf32, #tpu.memory_space<hbm>>
      %dma_start3A_157 = tpu.memref_squeeze %dma_start3A_156 : memref<1x80x144xf32, #tpu.memory_space<hbm>> -> memref<80x144xf32, #tpu.memory_space<hbm>>
      %dma_start3A_158 = arith.constant 0 : i32
      %dma_start3A_159 = tpu.memref_slice %arg5[%arg0, %mul3A_126, %dma_start3A_158] : memref<2x10240x144xf32, #tpu.memory_space<hbm>> -> memref<1x80x144xf32, #tpu.memory_space<hbm>>
      %dma_start3A_160 = tpu.memref_squeeze %dma_start3A_159 : memref<1x80x144xf32, #tpu.memory_space<hbm>> -> memref<80x144xf32, #tpu.memory_space<hbm>>
      tpu.enqueue_dma source(%arg12 : memref<80x144xf32, #tpu.memory_space<vmem>>) target(%dma_start3A_160 : memref<80x144xf32, #tpu.memory_space<hbm>>) target_semaphore(%run_scoped3A : memref<!tpu.dma_semaphore, #tpu.memory_space<semaphore_mem>>)
      %dma_wait3A_161 = arith.constant 0 : i32
      %dma_wait3A_162 = tpu.memref_slice %arg5[%arg0, %mul3A_126, %dma_wait3A_161] : memref<2x10240x144xf32, #tpu.memory_space<hbm>> -> memref<1x80x144xf32, #tpu.memory_space<hbm>>
      %dma_wait3A_163 = tpu.memref_squeeze %dma_wait3A_162 : memref<1x80x144xf32, #tpu.memory_space<hbm>> -> memref<80x144xf32, #tpu.memory_space<hbm>>
      %dma_wait3A_164 = arith.constant 0 : i32
      %dma_wait3A_165 = tpu.memref_slice %arg5[%arg0, %mul3A_126, %dma_wait3A_164] : memref<2x10240x144xf32, #tpu.memory_space<hbm>> -> memref<1x80x144xf32, #tpu.memory_space<hbm>>
      %dma_wait3A_166 = tpu.memref_squeeze %dma_wait3A_165 : memref<1x80x144xf32, #tpu.memory_space<hbm>> -> memref<80x144xf32, #tpu.memory_space<hbm>>
      tpu.wait_dma2 semaphore(%run_scoped3A : memref<!tpu.dma_semaphore, #tpu.memory_space<semaphore_mem>>) src(%arg12 : memref<80x144xf32, #tpu.memory_space<vmem>>) dst(%dma_wait3A_166 : memref<80x144xf32, #tpu.memory_space<hbm>>)
      tpu.yield
    }) : () -> ()
    %add3A_127 = arith.constant 16 : i32
    %add3A_128 = arith.addi %arg1, %add3A_127 : i32
    %mul3A_129 = arith.constant 80 : i32
    %mul3A_130 = arith.muli %add3A_128, %mul3A_129 : i32
    "tpu.region"() ({
      %run_scoped3A = tpu.sem_alloc : memref<!tpu.dma_semaphore, #tpu.memory_space<semaphore_mem>>
      %dma_start3A_155 = arith.constant 0 : i32
      %dma_start3A_156 = tpu.memref_slice %arg15[%mul3A_130, %dma_start3A_155] : memref<10240x144xf32, #tpu.memory_space<vmem_shared>> -> memref<80x144xf32, #tpu.memory_space<vmem_shared>>
      %dma_start3A_157 = arith.constant 0 : i32
      %dma_start3A_158 = tpu.memref_slice %arg15[%mul3A_130, %dma_start3A_157] : memref<10240x144xf32, #tpu.memory_space<vmem_shared>> -> memref<80x144xf32, #tpu.memory_space<vmem_shared>>
      tpu.enqueue_dma source(%dma_start3A_158 : memref<80x144xf32, #tpu.memory_space<vmem_shared>>) target(%arg12 : memref<80x144xf32, #tpu.memory_space<vmem>>) target_semaphore(%run_scoped3A : memref<!tpu.dma_semaphore, #tpu.memory_space<semaphore_mem>>)
      %dma_wait3A_159 = arith.constant 0 : i32
      %dma_wait3A_160 = tpu.memref_slice %arg15[%mul3A_130, %dma_wait3A_159] : memref<10240x144xf32, #tpu.memory_space<vmem_shared>> -> memref<80x144xf32, #tpu.memory_space<vmem_shared>>
      %dma_wait3A_161 = arith.constant 0 : i32
      %dma_wait3A_162 = tpu.memref_slice %arg15[%mul3A_130, %dma_wait3A_161] : memref<10240x144xf32, #tpu.memory_space<vmem_shared>> -> memref<80x144xf32, #tpu.memory_space<vmem_shared>>
      tpu.wait_dma2 semaphore(%run_scoped3A : memref<!tpu.dma_semaphore, #tpu.memory_space<semaphore_mem>>) src(%dma_wait3A_162 : memref<80x144xf32, #tpu.memory_space<vmem_shared>>) dst(%arg12 : memref<80x144xf32, #tpu.memory_space<vmem>>)
      tpu.yield
    }) : () -> ()
    "tpu.region"() ({
      %run_scoped3A = tpu.sem_alloc : memref<!tpu.dma_semaphore, #tpu.memory_space<semaphore_mem>>
      %dma_start3A_155 = arith.constant 0 : i32
      %dma_start3A_156 = tpu.memref_slice %arg5[%arg0, %mul3A_130, %dma_start3A_155] : memref<2x10240x144xf32, #tpu.memory_space<hbm>> -> memref<1x80x144xf32, #tpu.memory_space<hbm>>
      %dma_start3A_157 = tpu.memref_squeeze %dma_start3A_156 : memref<1x80x144xf32, #tpu.memory_space<hbm>> -> memref<80x144xf32, #tpu.memory_space<hbm>>
      %dma_start3A_158 = arith.constant 0 : i32
      %dma_start3A_159 = tpu.memref_slice %arg5[%arg0, %mul3A_130, %dma_start3A_158] : memref<2x10240x144xf32, #tpu.memory_space<hbm>> -> memref<1x80x144xf32, #tpu.memory_space<hbm>>
      %dma_start3A_160 = tpu.memref_squeeze %dma_start3A_159 : memref<1x80x144xf32, #tpu.memory_space<hbm>> -> memref<80x144xf32, #tpu.memory_space<hbm>>
      tpu.enqueue_dma source(%arg12 : memref<80x144xf32, #tpu.memory_space<vmem>>) target(%dma_start3A_160 : memref<80x144xf32, #tpu.memory_space<hbm>>) target_semaphore(%run_scoped3A : memref<!tpu.dma_semaphore, #tpu.memory_space<semaphore_mem>>)
      %dma_wait3A_161 = arith.constant 0 : i32
      %dma_wait3A_162 = tpu.memref_slice %arg5[%arg0, %mul3A_130, %dma_wait3A_161] : memref<2x10240x144xf32, #tpu.memory_space<hbm>> -> memref<1x80x144xf32, #tpu.memory_space<hbm>>
      %dma_wait3A_163 = tpu.memref_squeeze %dma_wait3A_162 : memref<1x80x144xf32, #tpu.memory_space<hbm>> -> memref<80x144xf32, #tpu.memory_space<hbm>>
      %dma_wait3A_164 = arith.constant 0 : i32
      %dma_wait3A_165 = tpu.memref_slice %arg5[%arg0, %mul3A_130, %dma_wait3A_164] : memref<2x10240x144xf32, #tpu.memory_space<hbm>> -> memref<1x80x144xf32, #tpu.memory_space<hbm>>
      %dma_wait3A_166 = tpu.memref_squeeze %dma_wait3A_165 : memref<1x80x144xf32, #tpu.memory_space<hbm>> -> memref<80x144xf32, #tpu.memory_space<hbm>>
      tpu.wait_dma2 semaphore(%run_scoped3A : memref<!tpu.dma_semaphore, #tpu.memory_space<semaphore_mem>>) src(%arg12 : memref<80x144xf32, #tpu.memory_space<vmem>>) dst(%dma_wait3A_166 : memref<80x144xf32, #tpu.memory_space<hbm>>)
      tpu.yield
    }) : () -> ()
    %add3A_131 = arith.constant 32 : i32
    %add3A_132 = arith.addi %arg1, %add3A_131 : i32
    %mul3A_133 = arith.constant 80 : i32
    %mul3A_134 = arith.muli %add3A_132, %mul3A_133 : i32
    "tpu.region"() ({
      %run_scoped3A = tpu.sem_alloc : memref<!tpu.dma_semaphore, #tpu.memory_space<semaphore_mem>>
      %dma_start3A_155 = arith.constant 0 : i32
      %dma_start3A_156 = tpu.memref_slice %arg15[%mul3A_134, %dma_start3A_155] : memref<10240x144xf32, #tpu.memory_space<vmem_shared>> -> memref<80x144xf32, #tpu.memory_space<vmem_shared>>
      %dma_start3A_157 = arith.constant 0 : i32
      %dma_start3A_158 = tpu.memref_slice %arg15[%mul3A_134, %dma_start3A_157] : memref<10240x144xf32, #tpu.memory_space<vmem_shared>> -> memref<80x144xf32, #tpu.memory_space<vmem_shared>>
      tpu.enqueue_dma source(%dma_start3A_158 : memref<80x144xf32, #tpu.memory_space<vmem_shared>>) target(%arg12 : memref<80x144xf32, #tpu.memory_space<vmem>>) target_semaphore(%run_scoped3A : memref<!tpu.dma_semaphore, #tpu.memory_space<semaphore_mem>>)
      %dma_wait3A_159 = arith.constant 0 : i32
      %dma_wait3A_160 = tpu.memref_slice %arg15[%mul3A_134, %dma_wait3A_159] : memref<10240x144xf32, #tpu.memory_space<vmem_shared>> -> memref<80x144xf32, #tpu.memory_space<vmem_shared>>
      %dma_wait3A_161 = arith.constant 0 : i32
      %dma_wait3A_162 = tpu.memref_slice %arg15[%mul3A_134, %dma_wait3A_161] : memref<10240x144xf32, #tpu.memory_space<vmem_shared>> -> memref<80x144xf32, #tpu.memory_space<vmem_shared>>
      tpu.wait_dma2 semaphore(%run_scoped3A : memref<!tpu.dma_semaphore, #tpu.memory_space<semaphore_mem>>) src(%dma_wait3A_162 : memref<80x144xf32, #tpu.memory_space<vmem_shared>>) dst(%arg12 : memref<80x144xf32, #tpu.memory_space<vmem>>)
      tpu.yield
    }) : () -> ()
    "tpu.region"() ({
      %run_scoped3A = tpu.sem_alloc : memref<!tpu.dma_semaphore, #tpu.memory_space<semaphore_mem>>
      %dma_start3A_155 = arith.constant 0 : i32
      %dma_start3A_156 = tpu.memref_slice %arg5[%arg0, %mul3A_134, %dma_start3A_155] : memref<2x10240x144xf32, #tpu.memory_space<hbm>> -> memref<1x80x144xf32, #tpu.memory_space<hbm>>
      %dma_start3A_157 = tpu.memref_squeeze %dma_start3A_156 : memref<1x80x144xf32, #tpu.memory_space<hbm>> -> memref<80x144xf32, #tpu.memory_space<hbm>>
      %dma_start3A_158 = arith.constant 0 : i32
      %dma_start3A_159 = tpu.memref_slice %arg5[%arg0, %mul3A_134, %dma_start3A_158] : memref<2x10240x144xf32, #tpu.memory_space<hbm>> -> memref<1x80x144xf32, #tpu.memory_space<hbm>>
      %dma_start3A_160 = tpu.memref_squeeze %dma_start3A_159 : memref<1x80x144xf32, #tpu.memory_space<hbm>> -> memref<80x144xf32, #tpu.memory_space<hbm>>
      tpu.enqueue_dma source(%arg12 : memref<80x144xf32, #tpu.memory_space<vmem>>) target(%dma_start3A_160 : memref<80x144xf32, #tpu.memory_space<hbm>>) target_semaphore(%run_scoped3A : memref<!tpu.dma_semaphore, #tpu.memory_space<semaphore_mem>>)
      %dma_wait3A_161 = arith.constant 0 : i32
      %dma_wait3A_162 = tpu.memref_slice %arg5[%arg0, %mul3A_134, %dma_wait3A_161] : memref<2x10240x144xf32, #tpu.memory_space<hbm>> -> memref<1x80x144xf32, #tpu.memory_space<hbm>>
      %dma_wait3A_163 = tpu.memref_squeeze %dma_wait3A_162 : memref<1x80x144xf32, #tpu.memory_space<hbm>> -> memref<80x144xf32, #tpu.memory_space<hbm>>
      %dma_wait3A_164 = arith.constant 0 : i32
      %dma_wait3A_165 = tpu.memref_slice %arg5[%arg0, %mul3A_134, %dma_wait3A_164] : memref<2x10240x144xf32, #tpu.memory_space<hbm>> -> memref<1x80x144xf32, #tpu.memory_space<hbm>>
      %dma_wait3A_166 = tpu.memref_squeeze %dma_wait3A_165 : memref<1x80x144xf32, #tpu.memory_space<hbm>> -> memref<80x144xf32, #tpu.memory_space<hbm>>
      tpu.wait_dma2 semaphore(%run_scoped3A : memref<!tpu.dma_semaphore, #tpu.memory_space<semaphore_mem>>) src(%arg12 : memref<80x144xf32, #tpu.memory_space<vmem>>) dst(%dma_wait3A_166 : memref<80x144xf32, #tpu.memory_space<hbm>>)
      tpu.yield
    }) : () -> ()
    %add3A_135 = arith.constant 48 : i32
    %add3A_136 = arith.addi %arg1, %add3A_135 : i32
    %mul3A_137 = arith.constant 80 : i32
    %mul3A_138 = arith.muli %add3A_136, %mul3A_137 : i32
    "tpu.region"() ({
      %run_scoped3A = tpu.sem_alloc : memref<!tpu.dma_semaphore, #tpu.memory_space<semaphore_mem>>
      %dma_start3A_155 = arith.constant 0 : i32
      %dma_start3A_156 = tpu.memref_slice %arg15[%mul3A_138, %dma_start3A_155] : memref<10240x144xf32, #tpu.memory_space<vmem_shared>> -> memref<80x144xf32, #tpu.memory_space<vmem_shared>>
      %dma_start3A_157 = arith.constant 0 : i32
      %dma_start3A_158 = tpu.memref_slice %arg15[%mul3A_138, %dma_start3A_157] : memref<10240x144xf32, #tpu.memory_space<vmem_shared>> -> memref<80x144xf32, #tpu.memory_space<vmem_shared>>
      tpu.enqueue_dma source(%dma_start3A_158 : memref<80x144xf32, #tpu.memory_space<vmem_shared>>) target(%arg12 : memref<80x144xf32, #tpu.memory_space<vmem>>) target_semaphore(%run_scoped3A : memref<!tpu.dma_semaphore, #tpu.memory_space<semaphore_mem>>)
      %dma_wait3A_159 = arith.constant 0 : i32
      %dma_wait3A_160 = tpu.memref_slice %arg15[%mul3A_138, %dma_wait3A_159] : memref<10240x144xf32, #tpu.memory_space<vmem_shared>> -> memref<80x144xf32, #tpu.memory_space<vmem_shared>>
      %dma_wait3A_161 = arith.constant 0 : i32
      %dma_wait3A_162 = tpu.memref_slice %arg15[%mul3A_138, %dma_wait3A_161] : memref<10240x144xf32, #tpu.memory_space<vmem_shared>> -> memref<80x144xf32, #tpu.memory_space<vmem_shared>>
      tpu.wait_dma2 semaphore(%run_scoped3A : memref<!tpu.dma_semaphore, #tpu.memory_space<semaphore_mem>>) src(%dma_wait3A_162 : memref<80x144xf32, #tpu.memory_space<vmem_shared>>) dst(%arg12 : memref<80x144xf32, #tpu.memory_space<vmem>>)
      tpu.yield
    }) : () -> ()
    "tpu.region"() ({
      %run_scoped3A = tpu.sem_alloc : memref<!tpu.dma_semaphore, #tpu.memory_space<semaphore_mem>>
      %dma_start3A_155 = arith.constant 0 : i32
      %dma_start3A_156 = tpu.memref_slice %arg5[%arg0, %mul3A_138, %dma_start3A_155] : memref<2x10240x144xf32, #tpu.memory_space<hbm>> -> memref<1x80x144xf32, #tpu.memory_space<hbm>>
      %dma_start3A_157 = tpu.memref_squeeze %dma_start3A_156 : memref<1x80x144xf32, #tpu.memory_space<hbm>> -> memref<80x144xf32, #tpu.memory_space<hbm>>
      %dma_start3A_158 = arith.constant 0 : i32
      %dma_start3A_159 = tpu.memref_slice %arg5[%arg0, %mul3A_138, %dma_start3A_158] : memref<2x10240x144xf32, #tpu.memory_space<hbm>> -> memref<1x80x144xf32, #tpu.memory_space<hbm>>
      %dma_start3A_160 = tpu.memref_squeeze %dma_start3A_159 : memref<1x80x144xf32, #tpu.memory_space<hbm>> -> memref<80x144xf32, #tpu.memory_space<hbm>>
      tpu.enqueue_dma source(%arg12 : memref<80x144xf32, #tpu.memory_space<vmem>>) target(%dma_start3A_160 : memref<80x144xf32, #tpu.memory_space<hbm>>) target_semaphore(%run_scoped3A : memref<!tpu.dma_semaphore, #tpu.memory_space<semaphore_mem>>)
      %dma_wait3A_161 = arith.constant 0 : i32
      %dma_wait3A_162 = tpu.memref_slice %arg5[%arg0, %mul3A_138, %dma_wait3A_161] : memref<2x10240x144xf32, #tpu.memory_space<hbm>> -> memref<1x80x144xf32, #tpu.memory_space<hbm>>
      %dma_wait3A_163 = tpu.memref_squeeze %dma_wait3A_162 : memref<1x80x144xf32, #tpu.memory_space<hbm>> -> memref<80x144xf32, #tpu.memory_space<hbm>>
      %dma_wait3A_164 = arith.constant 0 : i32
      %dma_wait3A_165 = tpu.memref_slice %arg5[%arg0, %mul3A_138, %dma_wait3A_164] : memref<2x10240x144xf32, #tpu.memory_space<hbm>> -> memref<1x80x144xf32, #tpu.memory_space<hbm>>
      %dma_wait3A_166 = tpu.memref_squeeze %dma_wait3A_165 : memref<1x80x144xf32, #tpu.memory_space<hbm>> -> memref<80x144xf32, #tpu.memory_space<hbm>>
      tpu.wait_dma2 semaphore(%run_scoped3A : memref<!tpu.dma_semaphore, #tpu.memory_space<semaphore_mem>>) src(%arg12 : memref<80x144xf32, #tpu.memory_space<vmem>>) dst(%dma_wait3A_166 : memref<80x144xf32, #tpu.memory_space<hbm>>)
      tpu.yield
    }) : () -> ()
    %add3A_139 = arith.constant 64 : i32
    %add3A_140 = arith.addi %arg1, %add3A_139 : i32
    %mul3A_141 = arith.constant 80 : i32
    %mul3A_142 = arith.muli %add3A_140, %mul3A_141 : i32
    "tpu.region"() ({
      %run_scoped3A = tpu.sem_alloc : memref<!tpu.dma_semaphore, #tpu.memory_space<semaphore_mem>>
      %dma_start3A_155 = arith.constant 0 : i32
      %dma_start3A_156 = tpu.memref_slice %arg15[%mul3A_142, %dma_start3A_155] : memref<10240x144xf32, #tpu.memory_space<vmem_shared>> -> memref<80x144xf32, #tpu.memory_space<vmem_shared>>
      %dma_start3A_157 = arith.constant 0 : i32
      %dma_start3A_158 = tpu.memref_slice %arg15[%mul3A_142, %dma_start3A_157] : memref<10240x144xf32, #tpu.memory_space<vmem_shared>> -> memref<80x144xf32, #tpu.memory_space<vmem_shared>>
      tpu.enqueue_dma source(%dma_start3A_158 : memref<80x144xf32, #tpu.memory_space<vmem_shared>>) target(%arg12 : memref<80x144xf32, #tpu.memory_space<vmem>>) target_semaphore(%run_scoped3A : memref<!tpu.dma_semaphore, #tpu.memory_space<semaphore_mem>>)
      %dma_wait3A_159 = arith.constant 0 : i32
      %dma_wait3A_160 = tpu.memref_slice %arg15[%mul3A_142, %dma_wait3A_159] : memref<10240x144xf32, #tpu.memory_space<vmem_shared>> -> memref<80x144xf32, #tpu.memory_space<vmem_shared>>
      %dma_wait3A_161 = arith.constant 0 : i32
      %dma_wait3A_162 = tpu.memref_slice %arg15[%mul3A_142, %dma_wait3A_161] : memref<10240x144xf32, #tpu.memory_space<vmem_shared>> -> memref<80x144xf32, #tpu.memory_space<vmem_shared>>
      tpu.wait_dma2 semaphore(%run_scoped3A : memref<!tpu.dma_semaphore, #tpu.memory_space<semaphore_mem>>) src(%dma_wait3A_162 : memref<80x144xf32, #tpu.memory_space<vmem_shared>>) dst(%arg12 : memref<80x144xf32, #tpu.memory_space<vmem>>)
      tpu.yield
    }) : () -> ()
    "tpu.region"() ({
      %run_scoped3A = tpu.sem_alloc : memref<!tpu.dma_semaphore, #tpu.memory_space<semaphore_mem>>
      %dma_start3A_155 = arith.constant 0 : i32
      %dma_start3A_156 = tpu.memref_slice %arg5[%arg0, %mul3A_142, %dma_start3A_155] : memref<2x10240x144xf32, #tpu.memory_space<hbm>> -> memref<1x80x144xf32, #tpu.memory_space<hbm>>
      %dma_start3A_157 = tpu.memref_squeeze %dma_start3A_156 : memref<1x80x144xf32, #tpu.memory_space<hbm>> -> memref<80x144xf32, #tpu.memory_space<hbm>>
      %dma_start3A_158 = arith.constant 0 : i32
      %dma_start3A_159 = tpu.memref_slice %arg5[%arg0, %mul3A_142, %dma_start3A_158] : memref<2x10240x144xf32, #tpu.memory_space<hbm>> -> memref<1x80x144xf32, #tpu.memory_space<hbm>>
      %dma_start3A_160 = tpu.memref_squeeze %dma_start3A_159 : memref<1x80x144xf32, #tpu.memory_space<hbm>> -> memref<80x144xf32, #tpu.memory_space<hbm>>
      tpu.enqueue_dma source(%arg12 : memref<80x144xf32, #tpu.memory_space<vmem>>) target(%dma_start3A_160 : memref<80x144xf32, #tpu.memory_space<hbm>>) target_semaphore(%run_scoped3A : memref<!tpu.dma_semaphore, #tpu.memory_space<semaphore_mem>>)
      %dma_wait3A_161 = arith.constant 0 : i32
      %dma_wait3A_162 = tpu.memref_slice %arg5[%arg0, %mul3A_142, %dma_wait3A_161] : memref<2x10240x144xf32, #tpu.memory_space<hbm>> -> memref<1x80x144xf32, #tpu.memory_space<hbm>>
      %dma_wait3A_163 = tpu.memref_squeeze %dma_wait3A_162 : memref<1x80x144xf32, #tpu.memory_space<hbm>> -> memref<80x144xf32, #tpu.memory_space<hbm>>
      %dma_wait3A_164 = arith.constant 0 : i32
      %dma_wait3A_165 = tpu.memref_slice %arg5[%arg0, %mul3A_142, %dma_wait3A_164] : memref<2x10240x144xf32, #tpu.memory_space<hbm>> -> memref<1x80x144xf32, #tpu.memory_space<hbm>>
      %dma_wait3A_166 = tpu.memref_squeeze %dma_wait3A_165 : memref<1x80x144xf32, #tpu.memory_space<hbm>> -> memref<80x144xf32, #tpu.memory_space<hbm>>
      tpu.wait_dma2 semaphore(%run_scoped3A : memref<!tpu.dma_semaphore, #tpu.memory_space<semaphore_mem>>) src(%arg12 : memref<80x144xf32, #tpu.memory_space<vmem>>) dst(%dma_wait3A_166 : memref<80x144xf32, #tpu.memory_space<hbm>>)
      tpu.yield
    }) : () -> ()
    %add3A_143 = arith.constant 80 : i32
    %add3A_144 = arith.addi %arg1, %add3A_143 : i32
    %mul3A_145 = arith.constant 80 : i32
    %mul3A_146 = arith.muli %add3A_144, %mul3A_145 : i32
    "tpu.region"() ({
      %run_scoped3A = tpu.sem_alloc : memref<!tpu.dma_semaphore, #tpu.memory_space<semaphore_mem>>
      %dma_start3A_155 = arith.constant 0 : i32
      %dma_start3A_156 = tpu.memref_slice %arg15[%mul3A_146, %dma_start3A_155] : memref<10240x144xf32, #tpu.memory_space<vmem_shared>> -> memref<80x144xf32, #tpu.memory_space<vmem_shared>>
      %dma_start3A_157 = arith.constant 0 : i32
      %dma_start3A_158 = tpu.memref_slice %arg15[%mul3A_146, %dma_start3A_157] : memref<10240x144xf32, #tpu.memory_space<vmem_shared>> -> memref<80x144xf32, #tpu.memory_space<vmem_shared>>
      tpu.enqueue_dma source(%dma_start3A_158 : memref<80x144xf32, #tpu.memory_space<vmem_shared>>) target(%arg12 : memref<80x144xf32, #tpu.memory_space<vmem>>) target_semaphore(%run_scoped3A : memref<!tpu.dma_semaphore, #tpu.memory_space<semaphore_mem>>)
      %dma_wait3A_159 = arith.constant 0 : i32
      %dma_wait3A_160 = tpu.memref_slice %arg15[%mul3A_146, %dma_wait3A_159] : memref<10240x144xf32, #tpu.memory_space<vmem_shared>> -> memref<80x144xf32, #tpu.memory_space<vmem_shared>>
      %dma_wait3A_161 = arith.constant 0 : i32
      %dma_wait3A_162 = tpu.memref_slice %arg15[%mul3A_146, %dma_wait3A_161] : memref<10240x144xf32, #tpu.memory_space<vmem_shared>> -> memref<80x144xf32, #tpu.memory_space<vmem_shared>>
      tpu.wait_dma2 semaphore(%run_scoped3A : memref<!tpu.dma_semaphore, #tpu.memory_space<semaphore_mem>>) src(%dma_wait3A_162 : memref<80x144xf32, #tpu.memory_space<vmem_shared>>) dst(%arg12 : memref<80x144xf32, #tpu.memory_space<vmem>>)
      tpu.yield
    }) : () -> ()
    "tpu.region"() ({
      %run_scoped3A = tpu.sem_alloc : memref<!tpu.dma_semaphore, #tpu.memory_space<semaphore_mem>>
      %dma_start3A_155 = arith.constant 0 : i32
      %dma_start3A_156 = tpu.memref_slice %arg5[%arg0, %mul3A_146, %dma_start3A_155] : memref<2x10240x144xf32, #tpu.memory_space<hbm>> -> memref<1x80x144xf32, #tpu.memory_space<hbm>>
      %dma_start3A_157 = tpu.memref_squeeze %dma_start3A_156 : memref<1x80x144xf32, #tpu.memory_space<hbm>> -> memref<80x144xf32, #tpu.memory_space<hbm>>
      %dma_start3A_158 = arith.constant 0 : i32
      %dma_start3A_159 = tpu.memref_slice %arg5[%arg0, %mul3A_146, %dma_start3A_158] : memref<2x10240x144xf32, #tpu.memory_space<hbm>> -> memref<1x80x144xf32, #tpu.memory_space<hbm>>
      %dma_start3A_160 = tpu.memref_squeeze %dma_start3A_159 : memref<1x80x144xf32, #tpu.memory_space<hbm>> -> memref<80x144xf32, #tpu.memory_space<hbm>>
      tpu.enqueue_dma source(%arg12 : memref<80x144xf32, #tpu.memory_space<vmem>>) target(%dma_start3A_160 : memref<80x144xf32, #tpu.memory_space<hbm>>) target_semaphore(%run_scoped3A : memref<!tpu.dma_semaphore, #tpu.memory_space<semaphore_mem>>)
      %dma_wait3A_161 = arith.constant 0 : i32
      %dma_wait3A_162 = tpu.memref_slice %arg5[%arg0, %mul3A_146, %dma_wait3A_161] : memref<2x10240x144xf32, #tpu.memory_space<hbm>> -> memref<1x80x144xf32, #tpu.memory_space<hbm>>
      %dma_wait3A_163 = tpu.memref_squeeze %dma_wait3A_162 : memref<1x80x144xf32, #tpu.memory_space<hbm>> -> memref<80x144xf32, #tpu.memory_space<hbm>>
      %dma_wait3A_164 = arith.constant 0 : i32
      %dma_wait3A_165 = tpu.memref_slice %arg5[%arg0, %mul3A_146, %dma_wait3A_164] : memref<2x10240x144xf32, #tpu.memory_space<hbm>> -> memref<1x80x144xf32, #tpu.memory_space<hbm>>
      %dma_wait3A_166 = tpu.memref_squeeze %dma_wait3A_165 : memref<1x80x144xf32, #tpu.memory_space<hbm>> -> memref<80x144xf32, #tpu.memory_space<hbm>>
      tpu.wait_dma2 semaphore(%run_scoped3A : memref<!tpu.dma_semaphore, #tpu.memory_space<semaphore_mem>>) src(%arg12 : memref<80x144xf32, #tpu.memory_space<vmem>>) dst(%dma_wait3A_166 : memref<80x144xf32, #tpu.memory_space<hbm>>)
      tpu.yield
    }) : () -> ()
    %add3A_147 = arith.constant 96 : i32
    %add3A_148 = arith.addi %arg1, %add3A_147 : i32
    %mul3A_149 = arith.constant 80 : i32
    %mul3A_150 = arith.muli %add3A_148, %mul3A_149 : i32
    "tpu.region"() ({
      %run_scoped3A = tpu.sem_alloc : memref<!tpu.dma_semaphore, #tpu.memory_space<semaphore_mem>>
      %dma_start3A_155 = arith.constant 0 : i32
      %dma_start3A_156 = tpu.memref_slice %arg15[%mul3A_150, %dma_start3A_155] : memref<10240x144xf32, #tpu.memory_space<vmem_shared>> -> memref<80x144xf32, #tpu.memory_space<vmem_shared>>
      %dma_start3A_157 = arith.constant 0 : i32
      %dma_start3A_158 = tpu.memref_slice %arg15[%mul3A_150, %dma_start3A_157] : memref<10240x144xf32, #tpu.memory_space<vmem_shared>> -> memref<80x144xf32, #tpu.memory_space<vmem_shared>>
      tpu.enqueue_dma source(%dma_start3A_158 : memref<80x144xf32, #tpu.memory_space<vmem_shared>>) target(%arg12 : memref<80x144xf32, #tpu.memory_space<vmem>>) target_semaphore(%run_scoped3A : memref<!tpu.dma_semaphore, #tpu.memory_space<semaphore_mem>>)
      %dma_wait3A_159 = arith.constant 0 : i32
      %dma_wait3A_160 = tpu.memref_slice %arg15[%mul3A_150, %dma_wait3A_159] : memref<10240x144xf32, #tpu.memory_space<vmem_shared>> -> memref<80x144xf32, #tpu.memory_space<vmem_shared>>
      %dma_wait3A_161 = arith.constant 0 : i32
      %dma_wait3A_162 = tpu.memref_slice %arg15[%mul3A_150, %dma_wait3A_161] : memref<10240x144xf32, #tpu.memory_space<vmem_shared>> -> memref<80x144xf32, #tpu.memory_space<vmem_shared>>
      tpu.wait_dma2 semaphore(%run_scoped3A : memref<!tpu.dma_semaphore, #tpu.memory_space<semaphore_mem>>) src(%dma_wait3A_162 : memref<80x144xf32, #tpu.memory_space<vmem_shared>>) dst(%arg12 : memref<80x144xf32, #tpu.memory_space<vmem>>)
      tpu.yield
    }) : () -> ()
    "tpu.region"() ({
      %run_scoped3A = tpu.sem_alloc : memref<!tpu.dma_semaphore, #tpu.memory_space<semaphore_mem>>
      %dma_start3A_155 = arith.constant 0 : i32
      %dma_start3A_156 = tpu.memref_slice %arg5[%arg0, %mul3A_150, %dma_start3A_155] : memref<2x10240x144xf32, #tpu.memory_space<hbm>> -> memref<1x80x144xf32, #tpu.memory_space<hbm>>
      %dma_start3A_157 = tpu.memref_squeeze %dma_start3A_156 : memref<1x80x144xf32, #tpu.memory_space<hbm>> -> memref<80x144xf32, #tpu.memory_space<hbm>>
      %dma_start3A_158 = arith.constant 0 : i32
      %dma_start3A_159 = tpu.memref_slice %arg5[%arg0, %mul3A_150, %dma_start3A_158] : memref<2x10240x144xf32, #tpu.memory_space<hbm>> -> memref<1x80x144xf32, #tpu.memory_space<hbm>>
      %dma_start3A_160 = tpu.memref_squeeze %dma_start3A_159 : memref<1x80x144xf32, #tpu.memory_space<hbm>> -> memref<80x144xf32, #tpu.memory_space<hbm>>
      tpu.enqueue_dma source(%arg12 : memref<80x144xf32, #tpu.memory_space<vmem>>) target(%dma_start3A_160 : memref<80x144xf32, #tpu.memory_space<hbm>>) target_semaphore(%run_scoped3A : memref<!tpu.dma_semaphore, #tpu.memory_space<semaphore_mem>>)
      %dma_wait3A_161 = arith.constant 0 : i32
      %dma_wait3A_162 = tpu.memref_slice %arg5[%arg0, %mul3A_150, %dma_wait3A_161] : memref<2x10240x144xf32, #tpu.memory_space<hbm>> -> memref<1x80x144xf32, #tpu.memory_space<hbm>>
      %dma_wait3A_163 = tpu.memref_squeeze %dma_wait3A_162 : memref<1x80x144xf32, #tpu.memory_space<hbm>> -> memref<80x144xf32, #tpu.memory_space<hbm>>
      %dma_wait3A_164 = arith.constant 0 : i32
      %dma_wait3A_165 = tpu.memref_slice %arg5[%arg0, %mul3A_150, %dma_wait3A_164] : memref<2x10240x144xf32, #tpu.memory_space<hbm>> -> memref<1x80x144xf32, #tpu.memory_space<hbm>>
      %dma_wait3A_166 = tpu.memref_squeeze %dma_wait3A_165 : memref<1x80x144xf32, #tpu.memory_space<hbm>> -> memref<80x144xf32, #tpu.memory_space<hbm>>
      tpu.wait_dma2 semaphore(%run_scoped3A : memref<!tpu.dma_semaphore, #tpu.memory_space<semaphore_mem>>) src(%arg12 : memref<80x144xf32, #tpu.memory_space<vmem>>) dst(%dma_wait3A_166 : memref<80x144xf32, #tpu.memory_space<hbm>>)
      tpu.yield
    }) : () -> ()
    %add3A_151 = arith.constant 112 : i32
    %add3A_152 = arith.addi %arg1, %add3A_151 : i32
    %mul3A_153 = arith.constant 80 : i32
    %mul3A_154 = arith.muli %add3A_152, %mul3A_153 : i32
    "tpu.region"() ({
      %run_scoped3A = tpu.sem_alloc : memref<!tpu.dma_semaphore, #tpu.memory_space<semaphore_mem>>
      %dma_start3A_155 = arith.constant 0 : i32
      %dma_start3A_156 = tpu.memref_slice %arg15[%mul3A_154, %dma_start3A_155] : memref<10240x144xf32, #tpu.memory_space<vmem_shared>> -> memref<80x144xf32, #tpu.memory_space<vmem_shared>>
      %dma_start3A_157 = arith.constant 0 : i32
      %dma_start3A_158 = tpu.memref_slice %arg15[%mul3A_154, %dma_start3A_157] : memref<10240x144xf32, #tpu.memory_space<vmem_shared>> -> memref<80x144xf32, #tpu.memory_space<vmem_shared>>
      tpu.enqueue_dma source(%dma_start3A_158 : memref<80x144xf32, #tpu.memory_space<vmem_shared>>) target(%arg12 : memref<80x144xf32, #tpu.memory_space<vmem>>) target_semaphore(%run_scoped3A : memref<!tpu.dma_semaphore, #tpu.memory_space<semaphore_mem>>)
      %dma_wait3A_159 = arith.constant 0 : i32
      %dma_wait3A_160 = tpu.memref_slice %arg15[%mul3A_154, %dma_wait3A_159] : memref<10240x144xf32, #tpu.memory_space<vmem_shared>> -> memref<80x144xf32, #tpu.memory_space<vmem_shared>>
      %dma_wait3A_161 = arith.constant 0 : i32
      %dma_wait3A_162 = tpu.memref_slice %arg15[%mul3A_154, %dma_wait3A_161] : memref<10240x144xf32, #tpu.memory_space<vmem_shared>> -> memref<80x144xf32, #tpu.memory_space<vmem_shared>>
      tpu.wait_dma2 semaphore(%run_scoped3A : memref<!tpu.dma_semaphore, #tpu.memory_space<semaphore_mem>>) src(%dma_wait3A_162 : memref<80x144xf32, #tpu.memory_space<vmem_shared>>) dst(%arg12 : memref<80x144xf32, #tpu.memory_space<vmem>>)
      tpu.yield
    }) : () -> ()
    "tpu.region"() ({
      %run_scoped3A = tpu.sem_alloc : memref<!tpu.dma_semaphore, #tpu.memory_space<semaphore_mem>>
      %dma_start3A_155 = arith.constant 0 : i32
      %dma_start3A_156 = tpu.memref_slice %arg5[%arg0, %mul3A_154, %dma_start3A_155] : memref<2x10240x144xf32, #tpu.memory_space<hbm>> -> memref<1x80x144xf32, #tpu.memory_space<hbm>>
      %dma_start3A_157 = tpu.memref_squeeze %dma_start3A_156 : memref<1x80x144xf32, #tpu.memory_space<hbm>> -> memref<80x144xf32, #tpu.memory_space<hbm>>
      %dma_start3A_158 = arith.constant 0 : i32
      %dma_start3A_159 = tpu.memref_slice %arg5[%arg0, %mul3A_154, %dma_start3A_158] : memref<2x10240x144xf32, #tpu.memory_space<hbm>> -> memref<1x80x144xf32, #tpu.memory_space<hbm>>
      %dma_start3A_160 = tpu.memref_squeeze %dma_start3A_159 : memref<1x80x144xf32, #tpu.memory_space<hbm>> -> memref<80x144xf32, #tpu.memory_space<hbm>>
      tpu.enqueue_dma source(%arg12 : memref<80x144xf32, #tpu.memory_space<vmem>>) target(%dma_start3A_160 : memref<80x144xf32, #tpu.memory_space<hbm>>) target_semaphore(%run_scoped3A : memref<!tpu.dma_semaphore, #tpu.memory_space<semaphore_mem>>)
      %dma_wait3A_161 = arith.constant 0 : i32
      %dma_wait3A_162 = tpu.memref_slice %arg5[%arg0, %mul3A_154, %dma_wait3A_161] : memref<2x10240x144xf32, #tpu.memory_space<hbm>> -> memref<1x80x144xf32, #tpu.memory_space<hbm>>
      %dma_wait3A_163 = tpu.memref_squeeze %dma_wait3A_162 : memref<1x80x144xf32, #tpu.memory_space<hbm>> -> memref<80x144xf32, #tpu.memory_space<hbm>>
      %dma_wait3A_164 = arith.constant 0 : i32
      %dma_wait3A_165 = tpu.memref_slice %arg5[%arg0, %mul3A_154, %dma_wait3A_164] : memref<2x10240x144xf32, #tpu.memory_space<hbm>> -> memref<1x80x144xf32, #tpu.memory_space<hbm>>
      %dma_wait3A_166 = tpu.memref_squeeze %dma_wait3A_165 : memref<1x80x144xf32, #tpu.memory_space<hbm>> -> memref<80x144xf32, #tpu.memory_space<hbm>>
      tpu.wait_dma2 semaphore(%run_scoped3A : memref<!tpu.dma_semaphore, #tpu.memory_space<semaphore_mem>>) src(%arg12 : memref<80x144xf32, #tpu.memory_space<vmem>>) dst(%dma_wait3A_166 : memref<80x144xf32, #tpu.memory_space<hbm>>)
      tpu.yield
    }) : () -> ()
    return
  }
}

module attributes {stable_mosaic.version = 14 : i64} {
  func.func @body(%arg0: memref<10000x128xf32, #tpu.memory_space<vmem>>, %arg1: memref<2x10240x144xf32, #tpu.memory_space<vmem>>, %arg2: memref<256x128xf32, #tpu.memory_space<vmem>>, %arg3: memref<128xf32, #tpu.memory_space<vmem>>, %arg4: memref<10000x128xf32, #tpu.memory_space<vmem>>) attributes {dimension_semantics = [], scalar_prefetch = 0 : i64, scratch_operands = 0 : i64, tpu.core_type = #tpu.core_type<tc>} {
    %get3A = arith.constant 0 : index
    %get3A_0 = arith.constant 0 : index
    %get3A_1 = arith.constant 0 : index
    %get3A_2 = vector.load %arg1[%get3A, %get3A_0, %get3A_1] : memref<2x10240x144xf32, #tpu.memory_space<vmem>>, vector<1x10000x144xf32>
    %get3A_3 = vector.shape_cast %get3A_2 : vector<1x10000x144xf32> to vector<10000x144xf32>
    %get3A_4 = arith.constant 1 : index
    %get3A_5 = arith.constant 0 : index
    %get3A_6 = arith.constant 0 : index
    %get3A_7 = vector.load %arg1[%get3A_4, %get3A_5, %get3A_6] : memref<2x10240x144xf32, #tpu.memory_space<vmem>>, vector<1x10000x144xf32>
    %get3A_8 = vector.shape_cast %get3A_7 : vector<1x10000x144xf32> to vector<10000x144xf32>
    %add3A = arith.addf %get3A_3, %get3A_8 : vector<10000x144xf32>
    %slice3A = vector.extract_strided_slice %add3A {offsets = [0, 0], sizes = [10000, 128], strides = [1, 1]} : vector<10000x144xf32> to vector<10000x128xf32>
    %slice3A_9 = vector.extract_strided_slice %add3A {offsets = [0, 128], sizes = [10000, 16], strides = [1, 1]} : vector<10000x144xf32> to vector<10000x16xf32>
    %reduce_sum3A = arith.constant dense<0.000000e+00> : vector<10000xf32>
    %reduce_sum3A_10 = vector.multi_reduction <add>, %slice3A_9, %reduce_sum3A [1] : vector<10000x16xf32> to vector<10000xf32>
    %broadcast_in_dim3A = vector.shape_cast %reduce_sum3A_10 : vector<10000xf32> to vector<10000x1xf32>
    %max3A = arith.constant 1.000000e+00 : f32
    %max3A_11 = vector.broadcast %max3A : f32 to vector<10000x1xf32>
    %max3A_12 = arith.maximumf %broadcast_in_dim3A, %max3A_11 : vector<10000x1xf32>
    %div3A = vector.broadcast %max3A_12 : vector<10000x1xf32> to vector<10000x128xf32>
    %div3A_13 = arith.divf %slice3A, %div3A : vector<10000x128xf32>
    %get3A_14 = arith.constant 0 : index
    %get3A_15 = arith.constant 0 : index
    %get3A_16 = vector.load %arg0[%get3A_14, %get3A_15] : memref<10000x128xf32, #tpu.memory_space<vmem>>, vector<10000x128xf32>
    %get3A_17 = arith.constant 0 : index
    %get3A_18 = arith.constant 0 : index
    %get3A_19 = vector.load %arg2[%get3A_17, %get3A_18] : memref<256x128xf32, #tpu.memory_space<vmem>>, vector<128x128xf32>
    %dot_general3A = arith.constant dense<0.000000e+00> : vector<10000x128xf32>
    %dot_general3A_20 = tpu.matmul %get3A_16, %get3A_19, %dot_general3A {dimension_numbers = #tpu.dot_dimension_numbers<[1], [0], [0], [1], [0, 0, 1, 1], [], []>, transpose_lhs_hint = false} : vector<10000x128xf32>, vector<128x128xf32>, vector<10000x128xf32> -> vector<10000x128xf32>
    %get3A_21 = arith.constant 128 : index
    %get3A_22 = arith.constant 0 : index
    %get3A_23 = vector.load %arg2[%get3A_21, %get3A_22] : memref<256x128xf32, #tpu.memory_space<vmem>>, vector<128x128xf32>
    %dot_general3A_24 = arith.constant dense<0.000000e+00> : vector<10000x128xf32>
    %dot_general3A_25 = tpu.matmul %div3A_13, %get3A_23, %dot_general3A_24 {dimension_numbers = #tpu.dot_dimension_numbers<[1], [0], [0], [1], [0, 0, 1, 1], [], []>, transpose_lhs_hint = false} : vector<10000x128xf32>, vector<128x128xf32>, vector<10000x128xf32> -> vector<10000x128xf32>
    %add3A_26 = arith.addf %dot_general3A_20, %dot_general3A_25 : vector<10000x128xf32>
    %get3A_27 = arith.constant 0 : index
    %get3A_28 = vector.load %arg3[%get3A_27] : memref<128xf32, #tpu.memory_space<vmem>>, vector<128xf32>
    %broadcast_in_dim3A_29 = vector.shape_cast %get3A_28 : vector<128xf32> to vector<1x128xf32>
    %add3A_30 = vector.broadcast %broadcast_in_dim3A_29 : vector<1x128xf32> to vector<10000x128xf32>
    %add3A_31 = arith.addf %add3A_26, %add3A_30 : vector<10000x128xf32>
    %max3A_32 = arith.constant 0.000000e+00 : f32
    %max3A_33 = vector.broadcast %max3A_32 : f32 to vector<10000x128xf32>
    %max3A_34 = arith.maximumf %add3A_31, %max3A_33 : vector<10000x128xf32>
    %swap3A = arith.constant 0 : index
    %swap3A_35 = arith.constant 0 : index
    %swap3A_36 = vector.load %arg4[%swap3A, %swap3A_35] : memref<10000x128xf32, #tpu.memory_space<vmem>>, vector<10000x128xf32>
    tpu.vector_store %arg4[%swap3A, %swap3A_35], %max3A_34 {strides = array<i32>} : memref<10000x128xf32, #tpu.memory_space<vmem>>, vector<10000x128xf32>,
    return
  }
}

</mosaic_0001>

<sc_bundles>
// kernel: kernel.4.cloned.1.call-start
scs
__scs_entry_jumppad:
0x0: {  	(pc) =	sbr.rel $0x88, $3  }
0x1: {  	(tag) =	ssettag $0x0;
	lr =	simm.s32 $0x1  }
0x2: {  	[smem:$0x3F9D] =	sst lr;
	_ =	strace $0xD0000000  }
0x3: {  	_ = 	snop  }
0x4: {  	_ = 	snop  }
0x5: {  	_ = 	snop  }
0x6: {  	_ = 	snop  }
0x7: {  	_ = 	snop  }
__scs_overlays_trampoline_lowered:
0x8: {  	[smem:$0x3FAC] =	sst s0  }
0x9: {  	[smem:$0x3FAD] =	sst s1  }
0xa: {  	[smem:$0x3FAE] =	sst s2  }
0xb: {  	[smem:$0x3FAF] =	sst s3  }
0xc: {  	[smem:$0x3FB0] =	sst s4  }
0xd: {  	[smem:$0x3FB1] =	sst s5  }
0xe: {  	[smem:$0x3FB2] =	sst s6  }
0xf: {  	[smem:$0x3FB3] =	sst s7  }
0x10: {  	[smem:$0x3FB4] =	sst s8  }
0x11: {  	[smem:$0x3FB5] =	sst s9;
	s0 =	simm.s32 @!p0 $0x0  }
0x12: {  	s1 =	sld [smem:$0x3F9B];
	s0 =	simm.s32 @p0 $0x1  }
0x13: {  	[smem:$0x3FB6] =	sst s0;
	s0 =	simm.s32 @!p1 $0x0  }
0x14: {  	s2 =	sld [smem:$0x3F9A];
	s0 =	simm.s32 @p1 $0x1  }
0x15: {  	[smem:$0x3FB7] =	sst s0;
	s0 =	simm.s32 @!p2 $0x0  }
0x16: {  	s3 =	sld [smem:$0x3FDB];
	s0 =	simm.s32 @p2 $0x1  }
0x17: {  	s4 =	simm.s32 $0x1BF5;
	[smem:$0x3FB9] =	sst s0  }
0x18: {  	s0 =	sld [smem:$0x3F9C];
	_ =	swait.ge [sflag:s4], $0x0  }
0x19: {  	s7 =	sld [smem:$0x3F9D]  }
0x1a: {  	s8 =	sadd.s32 $0xFFFFE003, lr  }
0x1b: {  	s9 =	sadd.s32 $0xFFFFFEF7, lr;
	s5 =	simm.s32 $0xFFFFFFFF;
	p2 =	slt.u32 s8, $0xFFFFF086  }
0x1c: {  	p1 =	slt.u32 s9, $0xF7A;
	s5 =	simm.s32 @!p2 $0x0  }
0x1d: {  	s5 =	simm.s32 @p1 $0x1;
	p0 =	seq.s32 s7, s2  }
0x1e: {  	s7 =	smul.u32 @!p0 $0xF7A, s2;
	p2 =	seq.s32 @!p0 s5, $0x0  }
0x1f: {  	s9 =	smul.u32 $0xF7A, s1;
	s8 =	simm.s32 @!p0 $0x1BF5;
	p2 =	por !p2, p0  }
0x20: {  	[sflag:s8] =	ssyncset.s32 @!p0 $0xFFFFF086;
	s6 =	sadd.s32 @!p0 s3, s7;
	s7 =	simm.s32 @!p0 $0x108  }
0x21: {  	s3 =	sadd.s32 s3, s9;
	s6 =	sadd.s32 @!p0 $0x88, s6;
	s7 =	simm.s32 @p2 $0x1082  }
0x22: {  	[simem:s7], [sflag:s8] =	dma.local @!p0 [hbm:s6], $0xF7A  }
0x23: {  	s9 =	sor.u32 $0xD0000000, s2;
	s6 =	simm.s32 $0x108;
	_ =	swait.ge @!p0 [sflag:s8], $0x0  }
0x24: {  	s3 =	sadd.s32 $0x88, s3;
	s6 =	simm.s32 @!p1 $0x1082;
	[sflag:s4] =	ssyncset.s32 $0xFFFFF086  }
0x25: {  	[simem:s6], [sflag:s4] =	dma.local [hbm:s3], $0xF7A  }
0x26: {  	[smem:$0x3F9D] =	sst s1;
	(tag) =	ssettag s2;
	_ =	strace s9  }
0x27: {  	s1 =	sld [smem:$0x3FAD]  }
0x28: {  	s2 =	sld [smem:$0x3FAE]  }
0x29: {  	s4 =	sld [smem:$0x3FB0]  }
0x2a: {  	p0 =	seq.s32 s5, $0x0;
	s5 =	sld [smem:$0x3FB1]  }
0x2b: {  	s6 =	sld [smem:$0x3FB2]  }
0x2c: {  	s7 =	sld [smem:$0x3FB3]  }
0x2d: {  	s3 =	simm.s32 $0x108;
	s8 =	sld [smem:$0x3FB4]  }
0x2e: {  	s3 =	simm.s32 @!p0 $0x1082;
	s9 =	sld [smem:$0x3FB5]  }
0x2f: {  	lr =	sadd.s32 s0, s3;
	s0 =	sld [smem:$0x3FAC]  }
0x30: {  	s3 =	sld [smem:$0x3FAF]  }
0x31: {  	[smem:$0x3FB8] =	sst s10  }
0x32: {  	s10 =	sld [smem:$0x3FB6];
	_ =	sdelay $0x3  }
0x33: {  	p0 =	seq.s32 s10, $0x1;
	s10 =	sld [smem:$0x3FB8];
	_ =	sdelay $0x3  }
0x34: {  	[smem:$0x3FB8] =	sst s10  }
0x35: {  	s10 =	sld [smem:$0x3FB7];
	_ =	sdelay $0x3  }
0x36: {  	p1 =	seq.s32 s10, $0x1;
	s10 =	sld [smem:$0x3FB8];
	_ =	sdelay $0x3  }
0x37: {  	[smem:$0x3FB8] =	sst s10  }
0x38: {  	s10 =	sld [smem:$0x3FB9]  }
0x39: {  	_ = 	snop;
	(pc) =	sbr.ind lr, $3  }
0x3a: {  	_ = 	snop  }
0x3b: {  	_ = 	snop  }
0x3c: {  	p2 =	seq.s32 s10, $0x1;
	s10 =	sld [smem:$0x3FB8]  }
0x3d: {  	_ =	shalt  }
0x3e: {  	_ =	shalt  }
0x3f: {  	_ =	shalt  }
0x40: {  	_ =	shalt  }
0x41: {  	_ =	shalt  }
0x42: {  	_ =	shalt  }
0x43: {  	_ =	shalt  }
0x44: {  	_ =	shalt  }
0x45: {  	_ =	shalt  }
0x46: {  	_ =	shalt  }
0x47: {  	_ =	shalt  }
0x48: {  	_ =	shalt  }
0x49: {  	_ =	shalt  }
0x4a: {  	_ =	shalt  }
0x4b: {  	_ =	shalt  }
0x4c: {  	_ =	shalt  }
0x4d: {  	_ =	shalt  }
0x4e: {  	_ =	shalt  }
0x4f: {  	_ =	shalt  }
0x50: {  	_ =	shalt  }
0x51: {  	_ =	shalt  }
0x52: {  	_ =	shalt  }
0x53: {  	_ =	shalt  }
0x54: {  	_ =	shalt  }
0x55: {  	_ =	shalt  }
0x56: {  	_ =	shalt  }
0x57: {  	_ =	shalt  }
0x58: {  	_ =	shalt  }
0x59: {  	_ =	shalt  }
0x5a: {  	_ =	shalt  }
0x5b: {  	_ =	shalt  }
0x5c: {  	_ =	shalt  }
0x5d: {  	_ =	shalt  }
0x5e: {  	_ =	shalt  }
0x5f: {  	_ =	shalt  }
0x60: {  	_ =	shalt  }
0x61: {  	_ =	shalt  }
0x62: {  	_ =	shalt  }
0x63: {  	_ =	shalt  }
0x64: {  	_ =	shalt  }
0x65: {  	_ =	shalt  }
0x66: {  	_ =	shalt  }
0x67: {  	_ =	shalt  }
0x68: {  	_ =	shalt  }
0x69: {  	_ =	shalt  }
0x6a: {  	_ =	shalt  }
0x6b: {  	_ =	shalt  }
0x6c: {  	_ =	shalt  }
0x6d: {  	_ =	shalt  }
0x6e: {  	_ =	shalt  }
0x6f: {  	_ =	shalt  }
0x70: {  	_ =	shalt  }
0x71: {  	_ =	shalt  }
0x72: {  	_ =	shalt  }
0x73: {  	_ =	shalt  }
0x74: {  	_ =	shalt  }
0x75: {  	_ =	shalt  }
0x76: {  	_ =	shalt  }
0x77: {  	_ =	shalt  }
0x78: {  	_ =	shalt  }
0x79: {  	_ =	shalt  }
0x7a: {  	_ =	shalt  }
0x7b: {  	_ =	shalt  }
0x7c: {  	_ =	shalt  }
0x7d: {  	_ =	shalt  }
0x7e: {  	_ =	shalt  }
0x7f: {  	_ =	shalt  }
0x80: {  	_ =	shalt  }
0x81: {  	_ =	shalt  }
0x82: {  	_ =	shalt  }
0x83: {  	_ =	shalt  }
0x84: {  	_ =	shalt  }
0x85: {  	_ =	shalt  }
0x86: {  	_ =	shalt  }
0x87: {  	_ =	shalt  }
.Lfunc_end0:
.L_simem_size_0:
called_computation_lowered:
.L_overlay_start_0:
0x88: {  	s2 =	sld [smem:$0x3FD9]  }
0x89: {  	s3 =	sld [smem:$0x3FFE];
	_ =	sdelay $0x1  }
0x8a: {  	s1 =	srdreg.scid  }
0x8b: {  	s0 =	sand.u32 $0x1, s1  }
0x8c: {  	s17 =	sshll.u32 s0, $0xA;
	s2 =	sadd.s32 s3, s2  }
0x8d: {  	s2 =	sadd.s32 s2, s17  }
0x8e: {  	[smem:$0x3FC4] =	sst s2  }
0x8f: {  	_ = 	snop  }
0x90: {  	s2 =	sld [smem:$0x3FD0];
	(tm) =	ssettm $0x1  }
0x91: {  	s18 =	sld [smem:$0x3FFB];
	_ =	sdelay $0x3  }
0x92: {  	_ =	strace s18  }
0x93: {  	s3 =	sld [smem:$0x3FFC];
	_ =	sdelay $0x3  }
0x94: {  	_ =	strace s3  }
0x95: {  	s3 =	sld [smem:$0x3FFD];
	_ =	sdelay $0x3  }
0x96: {  	_ =	strace s3  }
0x97: {  	_ =	strace $0x8FFFFFFF  }
0x98: {  	s19 =	sld [smem:$0x3FDB];
	_ =	sdelay $0x1  }
0x99: {  	s4 =	simm.s32 $_scs_section_size  }
0x9a: {  	s5 =	simm.s32 $_size__tile_overlayer_lowered;
	s6 =	simm.s32 $_tile_overlayer_lowered  }
0x9b: {  	s22 =	simm.s32 $0x1BFF;
	s21 =	sshll.u32 s6, $0x1;
	s3 =	sadd.s32 s4, s19  }
0x9c: {  	s7 =	simm.s32 $0x0;
	s20 =	sshll.u32 s5, $0x1;
	s5 =	sadd.s32 s21, s3  }
0x9d: {  	[timem:s7], [sflag:s22] =	dma.local [hbm:s5], s20  }
0x9e: {  	_ =	swait.ge [sflag:s22], s20  }
0x9f: {  	s4 =	ssub.s32 $0x0, s20;
	[sflag:s22] =	ssyncset.done $0x0  }
0xa0: {  	[sflag:s22] =	ssyncadd.s32 s4;
	_ =	sdelay $0x1  }
0xa1: {  	s23 =	simm.s32 $0x1B8B  }
0xa2: {  	_ =	swait.ge [sflag:s23], $0x1  }
0xa3: {  	[sflag:s23] =	ssyncset.done $0x0  }
0xa4: {  	s25 =	simm.s32 $0x1B8E;
	s24 =	sld [smem:$0x3FFE];
	[sflag:s23] =	ssyncadd.s32 $0xFFFFFFFF  }
0xa5: {  	s26 =	simm.s32 $execute0_lowered;
	[smem:$0x3FD2] =	sst s25  }
0xa6: {  	s5 =	sshll.u32 s26, $0x1;
	_ =	strace $0x80000046;
	[dreg:$0x1] =	wrdreg $0xFFFFFFFF  }
0xa7: {  	s28 =	simm.s32 $_size_execute0_lowered;
	s3 =	sadd.s32 s3, s5;
	[dreg:$0x0] =	wrdreg $0x0  }
0xa8: {  	s5 =	sshll.u32 s28, $0x1;
	[dreg:$0x2] =	wrdreg s3  }
0xa9: {  	[dreg:$0x3] =	wrdreg s5  }
0xaa: {  	[dreg:$0x4] =	wrdreg $0xC0  }
0xab: {  	_ =	task [dreg:s7], $0x5FFFF  }
0xac: {  	[dreg:$0x1] =	wrdreg $0xFFFFFFFF  }
0xad: {  	[dreg:$0x0] =	wrdreg $0x60  }
0xae: {  	[dreg:$0x2] =	wrdreg s24  }
0xaf: {  	[dreg:$0x3] =	wrdreg s2  }
0xb0: {  	[dreg:$0x4] =	wrdreg $0x88E00  }
0xb1: {  	[dreg:$0x5] =	wrdreg $0x9  }
0xb2: {  	_ =	task.clear_ibuf [dreg:s7], $0x6FFFF;
	_ =	strace $0x90000046  }
0xb3: {  	s29 =	simm.s32 $0x9;
	_ =	strace $0x80000048  }
0xb4: {  	_ =	swait.ge [sflag:s29], $0x1  }
0xb5: {  	[sflag:s29] =	ssyncadd.s32 $0xFFFFFFFF  }
0xb6: {  	_ =	strace $0x90000048  }
0xb7: {  	_ =	sfence  }
0xb8: {  	s30 =	sld [smem:$0x0];
	_ =	sdelay $0x2  }
0xb9: {  	s31 =	sshll.u32 s1, $0xD;
	s1 =	sshrl.u32 s1, $0x2  }
0xba: {  	s3 =	sand.u32 $0x4000, s31;
	s1 =	sadd.s32 s1, s30  }
0xbb: {  	s0 =	sor.u32 s3, s0;
	s1 =	sshll.u32 s1, $0x11  }
0xbc: {  	s0 =	sor.u32 s1, s0  }
0xbd: {  	s0 =	sadd.s32 $0x8F2B, s0  }
0xbe: {  	[sflag:s0] =	ssyncadd.remote.s32 $0x1  }
0xbf: {  	_ =	sfence.sel $0xFFFF  }
0xc0: {  	[dreg:$0x0] =	wrdreg $0xFFFFFFFF;
	(pc) =	sbr.abs _section_cstart, $3  }
0xc1: {  	[dreg:$0x1] =	wrdreg $0xFFFFFFFF  }
0xc2: {  	_ =	task.clear_ibuf [dreg:s7], $0x2FFFF;
	_ =	strace $0x9FFFFFFF  }
0xc3: {  	(tm) =	ssettm $0x7FFFFFFF  }
tec
execute0_lowered:
.L_overlay_start_1:
0x0: {  	(tag) =	ssettag $0x1  }
0x1: {  	s4 =	rddreg [dreg:$0x0]  }
0x2: {  	s1 =	rddreg [dreg:$0x1]  }
0x3: {  	s2 =	rddreg [dreg:$0x2];
	s0 =	srdreg.scid;
	s3 =	simm.s32 $0x0  }
0x4: {  	s18 =	stileid.u32;
	s28 =	simm.s32 $0x1;
	s29 =	simm.s32 $0x140  }
0x5: {  	s30 =	simm.s32 $0x190;
	s31 =	simm.s32 $0x5BE0;
	s5 =	sand.u32 $0x1, s0  }
0x6: {  	[smem:$0x7FF] =	sst s3;
	s6 =	smul.u32 $0x2D00, s18;
	s7 =	sadd.s32 $0x36000, s4  }
0x7: {  	s9 =	sshll.u32 s18, $0x1;
	s0 =	ssub.s32 $0x2, s5;
	s12 =	smul.u32 $0x168000, s5  }
0x8: {  	s8 =	sshrl.u32 s0, $0x1;
	s10 =	sadd.s32 $0x5A000, s6;
	s11 =	sadd.s32 $0x87000, s6  }
0x9: {  	s15 =	sadd.s32 $0xB4000, s6;
	s16 =	sadd.s32 $0xE1000, s6;
	s21 =	sadd.s32 $0x10E000, s6  }
0xa: {  	s22 =	sadd.s32 $0x13B000, s6;
	s0 =	ssub.s32 s0, s8;
	s8 =	sor.u32 s5, s9  }
0xb: {  	s9 =	sadd.s32 $0x2D000, s6;
	s13 =	sadd.s32 s6, s12;
	s17 =	sadd.s32 s12, s10  }
0xc: {  	s24 =	sadd.s32 s12, s11;
	s25 =	sadd.s32 s12, s15;
	s26 =	sadd.s32 s12, s16  }
0xd: {  	s19 =	sadd.s32 s12, s21;
	s5 =	smul.u32 $0x2710, s5;
	s16 =	sadd.s32 s16, s2  }
0xe: {  	s14 =	sadd.s32 s12, s9;
	s13 =	sshrl.u32 s13, $0x3;
	s23 =	sshrl.u32 s17, $0x3  }
0xf: {  	s17 =	sshrl.u32 s26, $0x3;
	s12 =	sadd.s32 s12, s22;
	s26 =	sadd.s32 s15, s2  }
0x10: {  	s22 =	sadd.s32 s22, s2;
	s0 =	smax.u32 s0, $0x1;
	s13 =	sadd.s32 s7, s13  }
0x11: {  	s14 =	sshrl.u32 s14, $0x3;
	s12 =	sshrl.u32 s12, $0x3;
	[dreg:$0x4] =	wrdreg s13  }
0x12: {  	s20 =	sadd.s32 s7, s14;
	s13 =	sadd.s32 s7, s23;
	s14 =	sshrl.u32 s25, $0x3  }
0x13: {  	s23 =	smul.u32 $0x2710, s8;
	[dreg:$0x6] =	wrdreg s13;
	s13 =	sshrl.u32 s24, $0x3  }
0x14: {  	s25 =	sadd.s32 s11, s2;
	[dreg:$0x5] =	wrdreg s20;
	s13 =	sadd.s32 s7, s13  }
0x15: {  	s14 =	sadd.s32 s7, s14;
	[dreg:$0x7] =	wrdreg s13;
	s13 =	sadd.s32 s7, s17  }
0x16: {  	s20 =	smul.u32 $0x4E20, s18;
	[dreg:$0x9] =	wrdreg s13;
	s13 =	sshrl.u32 s19, $0x3  }
0x17: {  	s18 =	sadd.s32 s9, s2;
	[dreg:$0x8] =	wrdreg s14;
	s13 =	sadd.s32 s7, s13  }
0x18: {  	s24 =	sadd.s32 s10, s2;
	s7 =	sadd.s32 s7, s12;
	[dreg:$0xa] =	wrdreg s13  }
0x19: {  	s14 =	sadd.s32 $0x200, s4;
	s17 =	sadd.s32 s6, s2;
	[dreg:$0xb] =	wrdreg s7  }
0x1a: {  	s6 =	sadd.s32 s21, s2;
	_ =	strace $0x80000047;
	[dreg:$0xc] =	wrdreg s24  }
0x1b: {  	s12 =	sadd.s32 s5, s20;
	s13 =	sadd.s32 $0xA000, s4;
	[dreg:$0xd] =	wrdreg s25  }
0x1c: {  	s4 =	sshrl.u32 s23, $0x3;
	s23 =	sadd.s32 $0x190, s12;
	[dreg:$0xe] =	wrdreg s26  }
0x1d: {  	[dreg:$0xf] =	wrdreg s6;
	s7 =	sadd.s32 $0xA, s4;
	s9 =	sadd.s32 $0x14, s4  }
0x1e: {  	s11 =	sadd.s32 $0x4CE, s4;
	s19 =	sadd.s32 s14, s4;
	[dreg:$0x1a] =	wrdreg s0  }
0x1f: {  	s20 =	sadd.s32 s1, s4;
	s4 =	sadd.s32 $0x4D8, s4;
	[dreg:$0x16] =	wrdreg s19  }
0x20: {  	s24 =	sshrl.u32 s23, $0x3;
	s8 =	sadd.s32 s14, s7;
	[dreg:$0x17] =	wrdreg s20  }
0x21: {  	s25 =	sadd.s32 $0x140, s12;
	s5 =	sadd.s32 s1, s7;
	[dreg:$0x10] =	wrdreg s8  }
0x22: {  	s23 =	simm.s32 $0x50;
	s10 =	sadd.s32 s14, s9;
	[dreg:$0x11] =	wrdreg s5  }
0x23: {  	s0 =	simm.s32 $0x0;
	s6 =	sadd.s32 s1, s9;
	[dreg:$0x12] =	wrdreg s10  }
0x24: {  	s15 =	sadd.s32 s14, s11;
	s21 =	sadd.s32 s14, s4;
	[dreg:$0x13] =	wrdreg s6  }
0x25: {  	s4 =	sadd.s32 s1, s4;
	s26 =	sshrl.u32 s25, $0x3;
	[dreg:$0x14] =	wrdreg s15  }
0x26: {  	s9 =	sadd.s32 $0xF0, s12;
	s12 =	simm.s32 $0x3;
	[dreg:$0x18] =	wrdreg s21  }
0x27: {  	s25 =	simm.s32 $0xF0;
	s5 =	sadd.s32 s1, s11;
	[dreg:$0x19] =	wrdreg s4  }
0x28: {  	s6 =	sadd.s32 s24, s14;
	s7 =	sadd.s32 s26, s1;
	s8 =	sadd.s32 s26, s14  }
0x29: {  	s11 =	simm.s32 $0x1E0;
	s26 =	simm.s32 $0x2EE0;
	s10 =	simm.s32 $0x2  }
0x2a: {  	v0 =	vimm.f32 $0.0e+00;
	[dreg:$0x15] =	wrdreg s5;
	s5 =	sadd.s32 s24, s1;
	s24 =	simm.s32 $0xA0  }
.LBB2_1:
0x2b: {  	s4 =	simm.s32 $0x80;
	s15 =	simm.s32 $0x440  }
.LBB2_2:
0x2c: {  	p0 =	sne.s32 s15, $0xB3C0;
	[tilespmem:s4+$0x1E0] =	vst v0  }
0x2d: {  	[tilespmem:s4+$0x160] =	vst v0  }
0x2e: {  	[tilespmem:s4+$0x170] =	vst v0  }
0x2f: {  	[tilespmem:s4+$0x180] =	vst v0  }
.Ltmp0:
0x30: {  	[tilespmem:s4+$0x190] =	vst v0;
	(pc) =	sbr.rel @p0 .LBB2_2-.Ltmp0, $4  }
0x31: {  	[tilespmem:s4+$0x1A0] =	vst v0  }
0x32: {  	[tilespmem:s4+$0x1B0] =	vst v0  }
0x33: {  	[tilespmem:s4+$0x1C0] =	vst v0  }
0x34: {  	[tilespmem:s4+$0x1D0] =	vst v0;
	s4 =	sshra.s32 s15, $0x2;
	s15 =	sadd.s32 $0x240, s15  }
0x35: {  	[tilespmem:s4+$0x1E0] =	vst v0  }
0x36: {  	[tilespmem:s4+$0x160] =	vst v0  }
0x37: {  	[tilespmem:s4+$0x170] =	vst v0  }
0x38: {  	[tilespmem:s4+$0x180] =	vst v0  }
0x39: {  	[tilespmem:s4+$0x190] =	vst v0  }
0x3a: {  	[tilespmem:s4+$0x1A0] =	vst v0  }
0x3b: {  	[tilespmem:s4+$0x1B0] =	vst v0  }
0x3c: {  	[tilespmem:s4+$0x1C0] =	vst v0  }
0x3d: {  	[tilespmem:s4+$0x1D0] =	vst v0  }
0x3e: {  	[spmem:s17] =	stream.linear.scatter [tilespmem:s11], [sflag:$0x3], $0x2D00, $0x38;
	[tilespmem:$0x1F0E0] =	vst v63  }
0x3f: {  	_ =	swait.ge [sflag:s12], $0x2D00  }
0x40: {  	[sflag:s12] =	ssyncset.done $0x0  }
0x41: {  	[sflag:s12] =	ssyncadd.s32 $0xFFFFD300  }
0x42: {  	[spmem:s18] =	stream.linear.scatter [tilespmem:s11], [sflag:$0x3], $0x2D00, $0x38;
	[tilespmem:$0x1F0E0] =	vst v63  }
0x43: {  	_ =	swait.ge [sflag:s12], $0x2D00  }
0x44: {  	[sflag:s12] =	ssyncset.done $0x0  }
0x45: {  	s20 =	smov.u32 s18;
	s18 =	rddreg [dreg:$0xc];
	[sflag:s12] =	ssyncadd.s32 $0xFFFFD300  }
0x46: {  	[spmem:s18] =	stream.linear.scatter [tilespmem:s11], [sflag:$0x3], $0x2D00, $0x38;
	[tilespmem:$0x1F0E0] =	vst v63  }
0x47: {  	_ =	swait.ge [sflag:s12], $0x2D00  }
0x48: {  	[sflag:s12] =	ssyncset.done $0x0  }
0x49: {  	s21 =	rddreg [dreg:$0xd];
	[sflag:s12] =	ssyncadd.s32 $0xFFFFD300  }
0x4a: {  	[spmem:s21] =	stream.linear.scatter [tilespmem:s11], [sflag:$0x3], $0x2D00, $0x38;
	[tilespmem:$0x1F0E0] =	vst v63  }
0x4b: {  	_ =	swait.ge [sflag:s12], $0x2D00  }
0x4c: {  	[sflag:s12] =	ssyncset.done $0x0  }
0x4d: {  	s15 =	rddreg [dreg:$0xe];
	[sflag:s12] =	ssyncadd.s32 $0xFFFFD300  }
0x4e: {  	[spmem:s15] =	stream.linear.scatter [tilespmem:s11], [sflag:$0x3], $0x2D00, $0x38;
	[tilespmem:$0x1F0E0] =	vst v63  }
0x4f: {  	_ =	swait.ge [sflag:s12], $0x2D00  }
0x50: {  	[sflag:s12] =	ssyncset.done $0x0  }
0x51: {  	[sflag:s12] =	ssyncadd.s32 $0xFFFFD300  }
0x52: {  	[spmem:s16] =	stream.linear.scatter [tilespmem:s11], [sflag:$0x3], $0x2D00, $0x38;
	[tilespmem:$0x1F0E0] =	vst v63  }
0x53: {  	_ =	swait.ge [sflag:s12], $0x2D00  }
0x54: {  	[sflag:s12] =	ssyncset.done $0x0  }
0x55: {  	s19 =	smov.u32 s17;
	s17 =	rddreg [dreg:$0xf];
	[sflag:s12] =	ssyncadd.s32 $0xFFFFD300  }
0x56: {  	[spmem:s17] =	stream.linear.scatter [tilespmem:s11], [sflag:$0x3], $0x2D00, $0x38;
	[tilespmem:$0x1F0E0] =	vst v63  }
0x57: {  	_ =	swait.ge [sflag:s12], $0x2D00  }
0x58: {  	[sflag:s12] =	ssyncset.done $0x0  }
0x59: {  	[sflag:s12] =	ssyncadd.s32 $0xFFFFD300  }
0x5a: {  	[spmem:s22] =	stream.linear.scatter [tilespmem:s11], [sflag:$0x3], $0x2D00, $0x38;
	[tilespmem:$0x1F0E0] =	vst v63  }
0x5b: {  	_ =	swait.ge [sflag:s12], $0x2D00  }
0x5c: {  	[sflag:s12] =	ssyncset.done $0x0  }
0x5d: {  	[sflag:s12] =	ssyncadd.s32 $0xFFFFD300  }
0x5e: {  	[bflag:$0x0] =	sbarrier.arrive $0xFFFF  }
0x5f: {  	s4 =	simm.s32 $0x0;
	s15 =	rddreg [dreg:$0x16]  }
0x60: {  	[tilespmem:s4], [sflag:$0x3] =	stream.linear.gather [hbm4b:s15+s4], $0x50, $0x38;
	[tilespmem:$0x1F0E0] =	vst v63  }
0x61: {  	_ =	swait.ge [sflag:s12], $0x50  }
0x62: {  	[sflag:s12] =	ssyncset.done $0x0  }
0x63: {  	s18 =	rddreg [dreg:$0x17];
	[sflag:s12] =	ssyncadd.s32 $0xFFFFFFB0  }
0x64: {  	[tilespmem:s23], [sflag:$0x3] =	stream.linear.gather [hbm4b:s18+s4], $0x50, $0x38;
	[tilespmem:$0x1F0E0] =	vst v63  }
0x65: {  	_ =	swait.ge [sflag:s12], $0x50  }
0x66: {  	[sflag:s12] =	ssyncset.done $0x0  }
0x67: {  	s21 =	smov.u32 s16;
	s16 =	rddreg [dreg:$0x10];
	[sflag:s12] =	ssyncadd.s32 $0xFFFFFFB0  }
0x68: {  	[tilespmem:s24], [sflag:$0x3] =	stream.linear.gather [hbm4b:s16+s4], $0x50, $0x38;
	[tilespmem:$0x1F0E0] =	vst v63  }
0x69: {  	_ =	swait.ge [sflag:s12], $0x50  }
0x6a: {  	[sflag:s12] =	ssyncset.done $0x0  }
0x6b: {  	s17 =	rddreg [dreg:$0x11];
	[sflag:s12] =	ssyncadd.s32 $0xFFFFFFB0  }
0x6c: {  	[tilespmem:s25], [sflag:$0x3] =	stream.linear.gather [hbm4b:s17+s4], $0x50, $0x38;
	[tilespmem:$0x1F0E0] =	vst v63  }
0x6d: {  	_ =	swait.ge [sflag:s12], $0x50  }
0x6e: {  	[sflag:s12] =	ssyncset.done $0x0  }
0x6f: {  	[sflag:s12] =	ssyncadd.s32 $0xFFFFFFB0  }
0x70: {  	[tilespmem:s11], [sflag:$0x1] =	stream.indirect.gather [hbm4b:s13+s23], $0x90, s4, s23, $0xb8;
	[tilespmem:$0x1F0E0] =	vst v63  }
0x71: {  	_ = 	snop  }
0x72: {  	[tilespmem:s26], [sflag:$0x1] =	stream.indirect.gather [hbm4b:s13+s23], $0x90, s24, s23, $0xb8;
	[tilespmem:$0x1F0E0] =	vst v63  }
0x73: {  	_ =	swait.ge [sflag:s28], $0x2D00  }
0x74: {  	[sflag:s28] =	ssyncset.done $0x0  }
0x75: {  	s18 =	rddreg [dreg:$0x12];
	[sflag:s28] =	ssyncadd.s32 $0xFFFFD300  }
0x76: {  	[tilespmem:s29], [sflag:$0x3] =	stream.linear.gather [hbm4b:s18+s4], $0x50, $0x38;
	[tilespmem:$0x1F0E0] =	vst v63  }
0x77: {  	_ =	swait.ge [sflag:s12], $0x50  }
0x78: {  	[sflag:s12] =	ssyncset.done $0x0  }
0x79: {  	s16 =	rddreg [dreg:$0x13];
	[sflag:s12] =	ssyncadd.s32 $0xFFFFFFB0  }
0x7a: {  	[tilespmem:s30], [sflag:$0x3] =	stream.linear.gather [hbm4b:s16+s4], $0x50, $0x38;
	[tilespmem:$0x1F0E0] =	vst v63  }
0x7b: {  	_ =	swait.ge [sflag:s12], $0x50  }
0x7c: {  	[sflag:s12] =	ssyncset.done $0x0  }
0x7d: {  	[sflag:s12] =	ssyncadd.s32 $0xFFFFFFB0  }
0x7e: {  	[tilespmem:s31], [sflag:$0x1] =	stream.indirect.gather [hbm4b:s13+s23], $0x90, s29, s23, $0xb8;
	[tilespmem:$0x1F0E0] =	vst v63  }
0x7f: {  	_ = 	snop  }
0x80: {  	[spmem:s2] =	stream.indirect.scatter.add.f32 [tilespmem:s11], [sflag:$0x2], $0x90, s23, s23, $0xb8;
	[tilespmem:$0x1F0E0] =	vst v63  }
0x81: {  	_ =	swait.ge [sflag:s28], $0x2D00  }
0x82: {  	[sflag:s28] =	ssyncset.done $0x0  }
0x83: {  	[sflag:s28] =	ssyncadd.s32 $0xFFFFD300  }
0x84: {  	_ =	swait.ge [sflag:s10], $0x2D00  }
0x85: {  	s17 =	sshrl.u32 s9, $0x3;
	[sflag:s10] =	ssyncset.done $0x0  }
0x86: {  	s18 =	sadd.s32 s14, s17;
	[sflag:s10] =	ssyncadd.s32 $0xFFFFD300  }
0x87: {  	[tilespmem:s3], [sflag:$0x3] =	stream.linear.gather [hbm4b:s18+s3], $0x50, $0x38;
	[tilespmem:$0x1F0E0] =	vst v63  }
0x88: {  	_ =	swait.ge [sflag:s12], $0x50  }
0x89: {  	[sflag:s12] =	ssyncset.done $0x0  }
0x8a: {  	s4 =	sadd.s32 s1, s17;
	[sflag:s12] =	ssyncadd.s32 $0xFFFFFFB0  }
0x8b: {  	[tilespmem:s23], [sflag:$0x3] =	stream.linear.gather [hbm4b:s4+s3], $0x50, $0x38;
	[tilespmem:$0x1F0E0] =	vst v63  }
0x8c: {  	_ =	swait.ge [sflag:s12], $0x50  }
0x8d: {  	[sflag:s12] =	ssyncset.done $0x0  }
0x8e: {  	[sflag:s12] =	ssyncadd.s32 $0xFFFFFFB0  }
0x8f: {  	[tilespmem:s11], [sflag:$0x1] =	stream.indirect.gather [hbm4b:s13+s23], $0x90, s3, s23, $0xb8;
	[tilespmem:$0x1F0E0] =	vst v63  }
0x90: {  	_ = 	snop  }
0x91: {  	[spmem:s2] =	stream.indirect.scatter.add.f32 [tilespmem:s26], [sflag:$0x2], $0x90, s25, s23, $0xb8;
	[tilespmem:$0x1F0E0] =	vst v63  }
0x92: {  	_ =	swait.ge [sflag:s28], $0x2D00  }
0x93: {  	[sflag:s28] =	ssyncset.done $0x0  }
0x94: {  	[sflag:s28] =	ssyncadd.s32 $0xFFFFD300  }
0x95: {  	_ =	swait.ge [sflag:s10], $0x2D00  }
0x96: {  	[sflag:s10] =	ssyncset.done $0x0  }
0x97: {  	s15 =	sadd.s32 $0x0, s8;
	[sflag:s10] =	ssyncadd.s32 $0xFFFFD300  }
0x98: {  	[tilespmem:s24], [sflag:$0x3] =	stream.linear.gather [hbm4b:s15+s3], $0x50, $0x38;
	[tilespmem:$0x1F0E0] =	vst v63  }
0x99: {  	_ =	swait.ge [sflag:s12], $0x50  }
0x9a: {  	[sflag:s12] =	ssyncset.done $0x0  }
0x9b: {  	s16 =	sadd.s32 $0x0, s7;
	[sflag:s12] =	ssyncadd.s32 $0xFFFFFFB0  }
0x9c: {  	[tilespmem:s25], [sflag:$0x3] =	stream.linear.gather [hbm4b:s16+s3], $0x50, $0x38;
	[tilespmem:$0x1F0E0] =	vst v63  }
0x9d: {  	_ =	swait.ge [sflag:s12], $0x50  }
0x9e: {  	[sflag:s12] =	ssyncset.done $0x0  }
0x9f: {  	[sflag:s12] =	ssyncadd.s32 $0xFFFFFFB0  }
0xa0: {  	[tilespmem:s26], [sflag:$0x1] =	stream.indirect.gather [hbm4b:s13+s23], $0x90, s24, s23, $0xb8;
	[tilespmem:$0x1F0E0] =	vst v63  }
0xa1: {  	_ = 	snop  }
0xa2: {  	[spmem:s2] =	stream.indirect.scatter.add.f32 [tilespmem:s31], [sflag:$0x2], $0x90, s30, s23, $0xb8;
	[tilespmem:$0x1F0E0] =	vst v63  }
0xa3: {  	_ =	swait.ge [sflag:s28], $0x2D00  }
0xa4: {  	[sflag:s28] =	ssyncset.done $0x0  }
0xa5: {  	[sflag:s28] =	ssyncadd.s32 $0xFFFFD300  }
0xa6: {  	_ =	swait.ge [sflag:s10], $0x2D00  }
0xa7: {  	[sflag:s10] =	ssyncset.done $0x0  }
0xa8: {  	s17 =	sadd.s32 $0x0, s6;
	[sflag:s10] =	ssyncadd.s32 $0xFFFFD300  }
0xa9: {  	[tilespmem:s29], [sflag:$0x3] =	stream.linear.gather [hbm4b:s17+s3], $0x50, $0x38;
	[tilespmem:$0x1F0E0] =	vst v63  }
0xaa: {  	_ =	swait.ge [sflag:s12], $0x50  }
0xab: {  	[sflag:s12] =	ssyncset.done $0x0  }
0xac: {  	s18 =	sadd.s32 $0x0, s5;
	[sflag:s12] =	ssyncadd.s32 $0xFFFFFFB0  }
0xad: {  	[tilespmem:s30], [sflag:$0x3] =	stream.linear.gather [hbm4b:s18+s3], $0x50, $0x38;
	[tilespmem:$0x1F0E0] =	vst v63  }
0xae: {  	_ =	swait.ge [sflag:s12], $0x50  }
0xaf: {  	[sflag:s12] =	ssyncset.done $0x0  }
0xb0: {  	s4 =	simm.s32 $0x1E;
	s15 =	sadd.s32 $0xF0, s9;
	[sflag:s12] =	ssyncadd.s32 $0xFFFFFFB0  }
0xb1: {  	[tilespmem:s31], [sflag:$0x1] =	stream.indirect.gather [hbm4b:s13+s23], $0x90, s29, s23, $0xb8;
	[tilespmem:$0x1F0E0] =	vst v63  }
.LBB2_4:
0xb2: {  	[spmem:s2] =	stream.indirect.scatter.add.f32 [tilespmem:s11], [sflag:$0x2], $0x90, s23, s23, $0xb8;
	[tilespmem:$0x1F0E0] =	vst v63  }
0xb3: {  	s16 =	smov.u32 s4  }
0xb4: {  	p0 =	sne.s32 s4, $0x492;
	s4 =	sadd.s32 $0x1E, s4;
	_ =	swait.ge [sflag:s28], $0x2D00  }
0xb5: {  	[sflag:s28] =	ssyncset.done $0x0  }
0xb6: {  	[sflag:s28] =	ssyncadd.s32 $0xFFFFD300  }
0xb7: {  	_ =	swait.ge [sflag:s10], $0x2D00  }
0xb8: {  	s17 =	sshrl.u32 s15, $0x3;
	[sflag:s10] =	ssyncset.done $0x0  }
0xb9: {  	s18 =	sadd.s32 s14, s17;
	[sflag:s10] =	ssyncadd.s32 $0xFFFFD300  }
0xba: {  	[tilespmem:s3], [sflag:$0x3] =	stream.linear.gather [hbm4b:s18+s3], $0x50, $0x38;
	[tilespmem:$0x1F0E0] =	vst v63  }
0xbb: {  	_ =	swait.ge [sflag:s12], $0x50  }
0xbc: {  	[sflag:s12] =	ssyncset.done $0x0  }
0xbd: {  	s17 =	sadd.s32 s1, s17;
	[sflag:s12] =	ssyncadd.s32 $0xFFFFFFB0  }
0xbe: {  	[tilespmem:s23], [sflag:$0x3] =	stream.linear.gather [hbm4b:s17+s3], $0x50, $0x38;
	[tilespmem:$0x1F0E0] =	vst v63  }
0xbf: {  	_ =	swait.ge [sflag:s12], $0x50  }
0xc0: {  	[sflag:s12] =	ssyncset.done $0x0  }
0xc1: {  	[sflag:s12] =	ssyncadd.s32 $0xFFFFFFB0  }
0xc2: {  	[tilespmem:s11], [sflag:$0x1] =	stream.indirect.gather [hbm4b:s13+s23], $0x90, s3, s23, $0xb8;
	[tilespmem:$0x1F0E0] =	vst v63  }
0xc3: {  	_ = 	snop  }
0xc4: {  	[spmem:s2] =	stream.indirect.scatter.add.f32 [tilespmem:s26], [sflag:$0x2], $0x90, s25, s23, $0xb8;
	[tilespmem:$0x1F0E0] =	vst v63  }
0xc5: {  	_ =	swait.ge [sflag:s28], $0x2D00  }
0xc6: {  	[sflag:s28] =	ssyncset.done $0x0  }
0xc7: {  	[sflag:s28] =	ssyncadd.s32 $0xFFFFD300  }
0xc8: {  	_ =	swait.ge [sflag:s10], $0x2D00  }
0xc9: {  	[sflag:s10] =	ssyncset.done $0x0  }
0xca: {  	s17 =	sadd.s32 s16, s8;
	[sflag:s10] =	ssyncadd.s32 $0xFFFFD300  }
0xcb: {  	[tilespmem:s24], [sflag:$0x3] =	stream.linear.gather [hbm4b:s17+s3], $0x50, $0x38;
	[tilespmem:$0x1F0E0] =	vst v63  }
0xcc: {  	_ =	swait.ge [sflag:s12], $0x50  }
0xcd: {  	[sflag:s12] =	ssyncset.done $0x0  }
0xce: {  	s17 =	sadd.s32 s16, s7;
	[sflag:s12] =	ssyncadd.s32 $0xFFFFFFB0  }
0xcf: {  	[tilespmem:s25], [sflag:$0x3] =	stream.linear.gather [hbm4b:s17+s3], $0x50, $0x38;
	[tilespmem:$0x1F0E0] =	vst v63  }
0xd0: {  	_ =	swait.ge [sflag:s12], $0x50  }
0xd1: {  	[sflag:s12] =	ssyncset.done $0x0  }
0xd2: {  	[sflag:s12] =	ssyncadd.s32 $0xFFFFFFB0  }
0xd3: {  	[tilespmem:s26], [sflag:$0x1] =	stream.indirect.gather [hbm4b:s13+s23], $0x90, s24, s23, $0xb8;
	[tilespmem:$0x1F0E0] =	vst v63  }
0xd4: {  	_ = 	snop  }
0xd5: {  	[spmem:s2] =	stream.indirect.scatter.add.f32 [tilespmem:s31], [sflag:$0x2], $0x90, s30, s23, $0xb8;
	[tilespmem:$0x1F0E0] =	vst v63  }
0xd6: {  	_ =	swait.ge [sflag:s28], $0x2D00  }
0xd7: {  	[sflag:s28] =	ssyncset.done $0x0  }
0xd8: {  	[sflag:s28] =	ssyncadd.s32 $0xFFFFD300  }
0xd9: {  	_ =	swait.ge [sflag:s10], $0x2D00  }
0xda: {  	[sflag:s10] =	ssyncset.done $0x0  }
0xdb: {  	s17 =	sadd.s32 s16, s6;
	[sflag:s10] =	ssyncadd.s32 $0xFFFFD300  }
0xdc: {  	[tilespmem:s29], [sflag:$0x3] =	stream.linear.gather [hbm4b:s17+s3], $0x50, $0x38;
	[tilespmem:$0x1F0E0] =	vst v63  }
0xdd: {  	_ =	swait.ge [sflag:s12], $0x50  }
0xde: {  	[sflag:s12] =	ssyncset.done $0x0  }
0xdf: {  	s16 =	sadd.s32 s16, s5;
	[sflag:s12] =	ssyncadd.s32 $0xFFFFFFB0  }
0xe0: {  	[tilespmem:s30], [sflag:$0x3] =	stream.linear.gather [hbm4b:s16+s3], $0x50, $0x38;
	[tilespmem:$0x1F0E0] =	vst v63  }
.Ltmp1:
0xe1: {  	_ =	swait.ge [sflag:s12], $0x50;
	(pc) =	sbr.rel @p0 .LBB2_4-.Ltmp1, $4  }
0xe2: {  	[sflag:s12] =	ssyncset.done $0x0  }
0xe3: {  	[sflag:s12] =	ssyncadd.s32 $0xFFFFFFB0  }
0xe4: {  	[tilespmem:s31], [sflag:$0x1] =	stream.indirect.gather [hbm4b:s13+s23], $0x90, s29, s23, $0xb8;
	[tilespmem:$0x1F0E0] =	vst v63  }
0xe5: {  	s15 =	sadd.s32 $0xF0, s15  }
0xe6: {  	[spmem:s2] =	stream.indirect.scatter.add.f32 [tilespmem:s11], [sflag:$0x2], $0x90, s23, s23, $0xb8;
	[tilespmem:$0x1F0E0] =	vst v63  }
0xe7: {  	_ =	swait.ge [sflag:s28], $0x2D00  }
0xe8: {  	[sflag:s28] =	ssyncset.done $0x0  }
0xe9: {  	[sflag:s28] =	ssyncadd.s32 $0xFFFFD300  }
0xea: {  	_ =	swait.ge [sflag:s10], $0x2D00  }
0xeb: {  	[sflag:s10] =	ssyncset.done $0x0  }
0xec: {  	s4 =	rddreg [dreg:$0x14];
	[sflag:s10] =	ssyncadd.s32 $0xFFFFD300  }
0xed: {  	[tilespmem:s3], [sflag:$0x3] =	stream.linear.gather [hbm4b:s4+s3], $0x50, $0x38;
	[tilespmem:$0x1F0E0] =	vst v63  }
0xee: {  	_ =	swait.ge [sflag:s12], $0x50  }
0xef: {  	[sflag:s12] =	ssyncset.done $0x0  }
0xf0: {  	s16 =	rddreg [dreg:$0x15];
	[sflag:s12] =	ssyncadd.s32 $0xFFFFFFB0  }
0xf1: {  	[tilespmem:s23], [sflag:$0x3] =	stream.linear.gather [hbm4b:s16+s3], $0x50, $0x38;
	[tilespmem:$0x1F0E0] =	vst v63  }
0xf2: {  	_ =	swait.ge [sflag:s12], $0x50  }
0xf3: {  	[sflag:s12] =	ssyncset.done $0x0  }
0xf4: {  	[sflag:s12] =	ssyncadd.s32 $0xFFFFFFB0  }
0xf5: {  	[tilespmem:s11], [sflag:$0x1] =	stream.indirect.gather [hbm4b:s13+s23], $0x90, s3, s23, $0xb8;
	[tilespmem:$0x1F0E0] =	vst v63  }
0xf6: {  	_ = 	snop  }
0xf7: {  	[spmem:s2] =	stream.indirect.scatter.add.f32 [tilespmem:s26], [sflag:$0x2], $0x90, s25, s23, $0xb8;
	[tilespmem:$0x1F0E0] =	vst v63  }
0xf8: {  	_ =	swait.ge [sflag:s28], $0x2D00  }
0xf9: {  	[sflag:s28] =	ssyncset.done $0x0  }
0xfa: {  	[sflag:s28] =	ssyncadd.s32 $0xFFFFD300  }
0xfb: {  	_ =	swait.ge [sflag:s10], $0x2D00  }
0xfc: {  	[sflag:s10] =	ssyncset.done $0x0  }
0xfd: {  	s17 =	rddreg [dreg:$0x18];
	[sflag:s10] =	ssyncadd.s32 $0xFFFFD300  }
0xfe: {  	[tilespmem:s24], [sflag:$0x3] =	stream.linear.gather [hbm4b:s17+s3], $0x50, $0x38;
	[tilespmem:$0x1F0E0] =	vst v63  }
0xff: {  	_ =	swait.ge [sflag:s12], $0x50  }
0x100: {  	[sflag:s12] =	ssyncset.done $0x0  }
0x101: {  	s18 =	rddreg [dreg:$0x19];
	[sflag:s12] =	ssyncadd.s32 $0xFFFFFFB0  }
0x102: {  	[tilespmem:s25], [sflag:$0x3] =	stream.linear.gather [hbm4b:s18+s3], $0x50, $0x38;
	[tilespmem:$0x1F0E0] =	vst v63  }
0x103: {  	_ =	swait.ge [sflag:s12], $0x50  }
0x104: {  	[sflag:s12] =	ssyncset.done $0x0  }
0x105: {  	[sflag:s12] =	ssyncadd.s32 $0xFFFFFFB0  }
0x106: {  	[tilespmem:s26], [sflag:$0x1] =	stream.indirect.gather [hbm4b:s13+s23], $0x90, s24, s23, $0xb8;
	[tilespmem:$0x1F0E0] =	vst v63  }
0x107: {  	_ = 	snop  }
0x108: {  	[spmem:s2] =	stream.indirect.scatter.add.f32 [tilespmem:s31], [sflag:$0x2], $0x90, s30, s23, $0xb8;
	[tilespmem:$0x1F0E0] =	vst v63  }
0x109: {  	_ =	swait.ge [sflag:s28], $0x2D00  }
0x10a: {  	[sflag:s28] =	ssyncset.done $0x0  }
0x10b: {  	[sflag:s28] =	ssyncadd.s32 $0xFFFFD300  }
0x10c: {  	_ =	swait.ge [sflag:s10], $0x2D00  }
0x10d: {  	[sflag:s10] =	ssyncset.done $0x0  }
0x10e: {  	[sflag:s10] =	ssyncadd.s32 $0xFFFFD300  }
0x10f: {  	[spmem:s2] =	stream.indirect.scatter.add.f32 [tilespmem:s11], [sflag:$0x2], $0x90, s23, s23, $0xb8;
	[tilespmem:$0x1F0E0] =	vst v63  }
0x110: {  	_ =	swait.ge [sflag:s28], $0x2D00  }
0x111: {  	[sflag:s28] =	ssyncset.done $0x0  }
0x112: {  	[sflag:s28] =	ssyncadd.s32 $0xFFFFD300  }
0x113: {  	_ =	swait.ge [sflag:s10], $0x2D00  }
0x114: {  	[sflag:s10] =	ssyncset.done $0x0  }
0x115: {  	[sflag:s10] =	ssyncadd.s32 $0xFFFFD300  }
0x116: {  	[spmem:s2] =	stream.indirect.scatter.add.f32 [tilespmem:s26], [sflag:$0x2], $0x90, s25, s23, $0xb8;
	[tilespmem:$0x1F0E0] =	vst v63  }
0x117: {  	_ =	swait.ge [sflag:s10], $0x2D00  }
0x118: {  	[sflag:s10] =	ssyncset.done $0x0  }
0x119: {  	[sflag:s10] =	ssyncadd.s32 $0xFFFFD300  }
0x11a: {  	[bflag:$0x0] =	sbarrier.arrive $0xFFFF  }
0x11b: {  	[tilespmem:s11], [sflag:$0x3] =	stream.linear.gather [spmem:s19], $0x2D00, $0x38;
	[tilespmem:$0x1F0E0] =	vst v63  }
0x11c: {  	_ =	swait.ge [sflag:s12], $0x2D00  }
0x11d: {  	[sflag:s12] =	ssyncset.done $0x0  }
0x11e: {  	s15 =	rddreg [dreg:$0x4];
	[sflag:s12] =	ssyncadd.s32 $0xFFFFD300  }
0x11f: {  	[hbm4b:s15+s3] =	stream.linear.scatter [tilespmem:s11], [sflag:$0x3], $0x2D00, $0x38;
	[tilespmem:$0x1F0E0] =	vst v63  }
0x120: {  	_ =	swait.ge [sflag:s12], $0x2D00  }
0x121: {  	[sflag:s12] =	ssyncset.done $0x0  }
0x122: {  	[sflag:s12] =	ssyncadd.s32 $0xFFFFD300  }
0x123: {  	[tilespmem:s11], [sflag:$0x3] =	stream.linear.gather [spmem:s20], $0x2D00, $0x38;
	[tilespmem:$0x1F0E0] =	vst v63  }
0x124: {  	_ =	swait.ge [sflag:s12], $0x2D00  }
0x125: {  	[sflag:s12] =	ssyncset.done $0x0  }
0x126: {  	s16 =	rddreg [dreg:$0x5];
	[sflag:s12] =	ssyncadd.s32 $0xFFFFD300  }
0x127: {  	[hbm4b:s16+s3] =	stream.linear.scatter [tilespmem:s11], [sflag:$0x3], $0x2D00, $0x38;
	[tilespmem:$0x1F0E0] =	vst v63  }
0x128: {  	_ =	swait.ge [sflag:s12], $0x2D00  }
0x129: {  	[sflag:s12] =	ssyncset.done $0x0  }
0x12a: {  	s17 =	smov.u32 s19;
	s19 =	rddreg [dreg:$0xc];
	[sflag:s12] =	ssyncadd.s32 $0xFFFFD300  }
0x12b: {  	[tilespmem:s11], [sflag:$0x3] =	stream.linear.gather [spmem:s19], $0x2D00, $0x38;
	[tilespmem:$0x1F0E0] =	vst v63  }
0x12c: {  	_ =	swait.ge [sflag:s12], $0x2D00  }
0x12d: {  	[sflag:s12] =	ssyncset.done $0x0  }
0x12e: {  	s18 =	smov.u32 s20;
	s20 =	rddreg [dreg:$0x6];
	[sflag:s12] =	ssyncadd.s32 $0xFFFFD300  }
0x12f: {  	[hbm4b:s20+s3] =	stream.linear.scatter [tilespmem:s11], [sflag:$0x3], $0x2D00, $0x38;
	[tilespmem:$0x1F0E0] =	vst v63  }
0x130: {  	_ =	swait.ge [sflag:s12], $0x2D00  }
0x131: {  	[sflag:s12] =	ssyncset.done $0x0  }
0x132: {  	s15 =	rddreg [dreg:$0xd];
	[sflag:s12] =	ssyncadd.s32 $0xFFFFD300  }
0x133: {  	[tilespmem:s11], [sflag:$0x3] =	stream.linear.gather [spmem:s15], $0x2D00, $0x38;
	[tilespmem:$0x1F0E0] =	vst v63  }
0x134: {  	_ =	swait.ge [sflag:s12], $0x2D00  }
0x135: {  	[sflag:s12] =	ssyncset.done $0x0  }
0x136: {  	s16 =	rddreg [dreg:$0x7];
	[sflag:s12] =	ssyncadd.s32 $0xFFFFD300  }
0x137: {  	[hbm4b:s16+s3] =	stream.linear.scatter [tilespmem:s11], [sflag:$0x3], $0x2D00, $0x38;
	[tilespmem:$0x1F0E0] =	vst v63  }
0x138: {  	_ =	swait.ge [sflag:s12], $0x2D00  }
0x139: {  	[sflag:s12] =	ssyncset.done $0x0  }
0x13a: {  	s19 =	rddreg [dreg:$0xe];
	[sflag:s12] =	ssyncadd.s32 $0xFFFFD300  }
0x13b: {  	[tilespmem:s11], [sflag:$0x3] =	stream.linear.gather [spmem:s19], $0x2D00, $0x38;
	[tilespmem:$0x1F0E0] =	vst v63  }
0x13c: {  	_ =	swait.ge [sflag:s12], $0x2D00  }
0x13d: {  	[sflag:s12] =	ssyncset.done $0x0  }
0x13e: {  	s20 =	rddreg [dreg:$0x8];
	[sflag:s12] =	ssyncadd.s32 $0xFFFFD300  }
0x13f: {  	[hbm4b:s20+s3] =	stream.linear.scatter [tilespmem:s11], [sflag:$0x3], $0x2D00, $0x38;
	[tilespmem:$0x1F0E0] =	vst v63  }
0x140: {  	_ =	swait.ge [sflag:s12], $0x2D00  }
0x141: {  	[sflag:s12] =	ssyncset.done $0x0  }
0x142: {  	[sflag:s12] =	ssyncadd.s32 $0xFFFFD300  }
0x143: {  	[tilespmem:s11], [sflag:$0x3] =	stream.linear.gather [spmem:s21], $0x2D00, $0x38;
	[tilespmem:$0x1F0E0] =	vst v63  }
0x144: {  	_ =	swait.ge [sflag:s12], $0x2D00  }
0x145: {  	[sflag:s12] =	ssyncset.done $0x0  }
0x146: {  	s16 =	smov.u32 s21;
	s21 =	rddreg [dreg:$0x9];
	[sflag:s12] =	ssyncadd.s32 $0xFFFFD300  }
0x147: {  	[hbm4b:s21+s3] =	stream.linear.scatter [tilespmem:s11], [sflag:$0x3], $0x2D00, $0x38;
	[tilespmem:$0x1F0E0] =	vst v63  }
0x148: {  	_ =	swait.ge [sflag:s12], $0x2D00  }
0x149: {  	[sflag:s12] =	ssyncset.done $0x0  }
0x14a: {  	s15 =	rddreg [dreg:$0xf];
	[sflag:s12] =	ssyncadd.s32 $0xFFFFD300  }
0x14b: {  	[tilespmem:s11], [sflag:$0x3] =	stream.linear.gather [spmem:s15], $0x2D00, $0x38;
	[tilespmem:$0x1F0E0] =	vst v63  }
0x14c: {  	_ =	swait.ge [sflag:s12], $0x2D00  }
0x14d: {  	[sflag:s12] =	ssyncset.done $0x0  }
0x14e: {  	s19 =	rddreg [dreg:$0xa];
	[sflag:s12] =	ssyncadd.s32 $0xFFFFD300  }
0x14f: {  	[hbm4b:s19+s3] =	stream.linear.scatter [tilespmem:s11], [sflag:$0x3], $0x2D00, $0x38;
	[tilespmem:$0x1F0E0] =	vst v63  }
0x150: {  	_ =	swait.ge [sflag:s12], $0x2D00  }
0x151: {  	[sflag:s12] =	ssyncset.done $0x0  }
0x152: {  	[sflag:s12] =	ssyncadd.s32 $0xFFFFD300  }
0x153: {  	[tilespmem:s11], [sflag:$0x3] =	stream.linear.gather [spmem:s22], $0x2D00, $0x38;
	[tilespmem:$0x1F0E0] =	vst v63  }
0x154: {  	_ =	swait.ge [sflag:s12], $0x2D00  }
0x155: {  	[sflag:s12] =	ssyncset.done $0x0  }
0x156: {  	s20 =	rddreg [dreg:$0xb];
	[sflag:s12] =	ssyncadd.s32 $0xFFFFD300  }
0x157: {  	[hbm4b:s20+s3] =	stream.linear.scatter [tilespmem:s11], [sflag:$0x3], $0x2D00, $0x38;
	[tilespmem:$0x1F0E0] =	vst v63  }
0x158: {  	_ =	swait.ge [sflag:s12], $0x2D00  }
0x159: {  	s0 =	sadd.s32 $0x1, s0;
	s21 =	rddreg [dreg:$0x1a]  }
0x15a: {  	p0 =	sne.s32 s0, s21  }
.Ltmp2:
0x15b: {  	_ = 	snop;
	(pc) =	sbr.rel @p0 .LBB2_1-.Ltmp2, $3  }
0x15c: {  	_ =	sdelay $0x1  }
0x15d: {  	[sflag:s12] =	ssyncset.done $0x0  }
0x15e: {  	[sflag:s12] =	ssyncadd.s32 $0xFFFFD300  }
0x15f: {  	_ =	sfence.sel $0x180000  }
0x160: {  	[bflag:$0x0] =	sbarrier.arrive $0xFFFF  }
0x161: {  	_ =	strace $0x90000047  }
0x162: {  	s0 =	stileid.u32;
	[bflag:$0x2] =	sbarrier.arrive $0xFFFF  }
0x163: {  	p0 =	sne.s32 s0, $0x0;
	s0 =	rddreg [dreg:$0x3]  }
0x164: {  	s0 =	sadd.s32 @!p0 $0x100000, s0  }
0x165: {  	[sflag:s0] =	ssyncadd.tile.s32 @!p0 $0x1;
	_ =	shalt  }
.Lfunc_end2:
_tile_overlayer_lowered:
.L_overlay_start_2:
0x166: {  	(tag) =	ssettag $0x2  }
0x167: {  	s0 =	rddreg [dreg:$0x0];
	s2 =	stileid.u32  }
0x168: {  	s1 =	rddreg [dreg:$0x1];
	p0 =	sne.s32 s2, $0x0  }
0x169: {  	s3 =	rddreg [dreg:$0x2];
	[bflag:$0x3] =	sbarrier.arrive $0xFFFF;
	s2 =	simm.s32 @!p0 $0x1C03  }
0x16a: {  	[timem:s3], [sflag:s2] =	dma.local @!p0 [hbm:s0], s1  }
0x16b: {  	s0 =	simm.s32 @!p0 $0x3  }
0x16c: {  	_ =	swait.ge @!p0 [sflag:s0], s1  }
0x16d: {  	s1 =	ssub.s32 @!p0 $0x0, s1;
	[sflag:s0] =	ssyncset.done @!p0 $0x0  }
0x16e: {  	[sflag:s0] =	ssyncadd.s32 @!p0 s1  }
0x16f: {  	[bflag:$0x3] =	sbarrier.arrive $0xFFFF  }
0x170: {  	_ =	shalt  }

</sc_bundles>
